<compile_context>
chip_gen: v7x
topology: tpu7x:2x2x1
jax: 0.10.2.dev20260603
libtpu: 0.0.44.dev20260713+nightly
codegen_flags: <defaults>
</compile_context>

<pallas_src>
import functools

import jax
import jax.numpy as jnp
from jax import lax
from jax.experimental import pallas as pl
from jax.experimental.pallas import tpu as pltpu
from jax.experimental.pallas import tpu_sc as plsc

B = 16384
D = 64
V = 1000000
L = 16
NC, NS = 2, 16
NW = NC * NS
RPW = B // NW
CH = 128
CB = 16384

_mesh = plsc.VectorSubcoreMesh(core_axis_name="c", subcore_axis_name="s")


def _wsum_body(ut_ref, it_ref, wu_ref, wi_ref, vu_ref, vi_ref):
    vu_ref[0, :] = jnp.sum(ut_ref[...] * wu_ref[...], axis=0)
    vi_ref[0, :] = jnp.sum(it_ref[...] * wi_ref[...], axis=0)


_NCB = (V + CB - 1) // CB

_wsum = pl.pallas_call(
    _wsum_body,
    grid=(_NCB,),
    in_specs=[
        pl.BlockSpec((D, CB), lambda j: (0, j)),
        pl.BlockSpec((D, CB), lambda j: (0, j)),
        pl.BlockSpec((D, 1), lambda j: (0, 0)),
        pl.BlockSpec((D, 1), lambda j: (0, 0)),
    ],
    out_specs=[
        pl.BlockSpec((1, CB), lambda j: (0, j)),
        pl.BlockSpec((1, CB), lambda j: (0, j)),
    ],
    out_shape=[
        jax.ShapeDtypeStruct((1, V), jnp.float32),
        jax.ShapeDtypeStruct((1, V), jnp.float32),
    ],
)


@functools.partial(
    pl.kernel,
    mesh=_mesh,
    out_type=jax.ShapeDtypeStruct((B,), jnp.float32),
    scratch_types=[
        pltpu.VMEM((RPW,), jnp.int32),
        pltpu.VMEM((RPW,), jnp.int32),
        pltpu.VMEM((RPW,), jnp.float32),
        pltpu.VMEM((RPW,), jnp.float32),
        pltpu.VMEM((L,), jnp.float32),
        pltpu.VMEM((RPW,), jnp.float32),
        pltpu.SemaphoreType.DMA,
    ],
)
def _gather_sc(uids, iids, vu, vi, bvec, out,
               uidx_v, iidx_v, gu_v, gi_v, b_v, out_v, sem):
    wid = lax.axis_index("s") * NC + lax.axis_index("c")
    base = wid * RPW
    pltpu.sync_copy(uids.at[pl.ds(base, RPW)], uidx_v)
    pltpu.sync_copy(iids.at[pl.ds(base, RPW)], iidx_v)
    pltpu.sync_copy(bvec, b_v)
    handles = []
    for c in range(RPW // CH):
        handles.append(pltpu.async_copy(
            vu.at[uidx_v.at[pl.ds(c * CH, CH)]],
            gu_v.at[pl.ds(c * CH, CH)], sem))
        handles.append(pltpu.async_copy(
            vi.at[iidx_v.at[pl.ds(c * CH, CH)]],
            gi_v.at[pl.ds(c * CH, CH)], sem))
    for h in handles:
        h.wait()
    bias = b_v[...]
    for k in range(RPW // L):
        out_v[pl.ds(k * L, L)] = (gu_v[pl.ds(k * L, L)]
                                  + gi_v[pl.ds(k * L, L)] + bias)
    pltpu.sync_copy(out_v, out.at[pl.ds(base, RPW)])


def kernel(user_ids, item_ids, user_table, item_table, fc_w, fc_b):
    ut_t = user_table.T
    it_t = item_table.T
    wu = fc_w[:D]
    wi = fc_w[D:]
    vu, vi = _wsum(ut_t, it_t, wu, wi)
    bvec = jnp.broadcast_to(fc_b, (L,))
    out = _gather_sc(user_ids, item_ids, vu.reshape(V), vi.reshape(V), bvec)
    return out.reshape(B, 1)

# --- scband reference (transcript-rebuilt; emitter-appended) ---
"""Pipeline reference for scband-simple-ncf-2405181686295 (READ-ONLY COPY).

The authoritative reference and input builder live on the scoring server;
editing this copy changes nothing except your own understanding.
"""

import jax, jax.numpy as jnp
import numpy as np

N_USERS = 1000000
N_ITEMS = 1000000
EMB_DIM = 64  # layers[0] // 2
BATCH = 16384


def setup_inputs(seed: int = 0) -> dict:
    key = jax.random.key(seed)
    k1, k2, k3, k4, k5, k6 = jax.random.split(key, 6)
    user_ids = jax.random.randint(k1, (BATCH,), 0, N_USERS, dtype=jnp.int64 if jax.config.jax_enable_x64 else jnp.int32).astype(jnp.int32)
    item_ids = jax.random.randint(k2, (BATCH,), 0, N_ITEMS, dtype=jnp.int32)
    user_table = jax.random.normal(k3, (N_USERS, EMB_DIM), dtype=jnp.float32)
    item_table = jax.random.normal(k4, (N_ITEMS, EMB_DIM), dtype=jnp.float32)
    fc_w = jax.random.normal(k5, (2 * EMB_DIM, 1), dtype=jnp.float32) * (1.0 / np.sqrt(2 * EMB_DIM))
    fc_b = jax.random.normal(k6, (1,), dtype=jnp.float32) * 0.01
    return {
        "user_ids": user_ids,
        "item_ids": item_ids,
        "user_table": user_table,
        "item_table": item_table,
        "fc_w": fc_w,
        "fc_b": fc_b,
    }


def reference(user_ids, item_ids, user_table, item_table, fc_w, fc_b):
    # embedding lookups (gather)
    u_emb = jnp.take(user_table, user_ids, axis=0)  # [B, 64]
    i_emb = jnp.take(item_table, item_ids, axis=0)  # [B, 64]
    x = jnp.concatenate([u_emb, i_emb], axis=1)     # [B, 128]
    output = x @ fc_w + fc_b                        # [B, 1]
    return output

if __name__ == "__main__":
    import jax
    _d = setup_inputs()
    print(jax.jit(kernel)(*tuple(_d.values())))

</pallas_src>

<mosaic_0001>
#map = affine_map<(d0, d1) -> (0)>
module attributes {stable_mosaic.version = 14 : i64} {
  func.func @_gather_sc(%arg0: i32, %arg1: i32, %arg2: memref<16384xi32, #tpu.memory_space<hbm>>, %arg3: memref<16384xi32, #tpu.memory_space<hbm>>, %arg4: memref<1000000xf32, #tpu.memory_space<hbm>>, %arg5: memref<1000000xf32, #tpu.memory_space<hbm>>, %arg6: memref<16xf32, #tpu.memory_space<hbm>>, %arg7: memref<16384xf32, #tpu.memory_space<hbm>>, %arg8: memref<512xi32, #tpu.memory_space<vmem>>, %arg9: memref<512xi32, #tpu.memory_space<vmem>>, %arg10: memref<512xf32, #tpu.memory_space<vmem>>, %arg11: memref<512xf32, #tpu.memory_space<vmem>>, %arg12: memref<16xf32, #tpu.memory_space<vmem>>, %arg13: memref<512xf32, #tpu.memory_space<vmem>>, %arg14: memref<!tpu.dma_semaphore, #tpu.memory_space<semaphore_mem>>) attributes {dimension_semantics = [#tpu.dimension_semantics<core_parallel>, #tpu.dimension_semantics<subcore_parallel>], iteration_bounds = array<i64: 2, 16>, scalar_prefetch = 0 : i64, scratch_operands = 7 : i64, tpu.core_type = #tpu.core_type<sc_vector_subcore>, window_params = [{transform_indices = #map}, {transform_indices = #map}, {transform_indices = #map}, {transform_indices = #map}, {transform_indices = #map}, {transform_indices = #map}]} {
    %mul3A = arith.constant 2 : i32
    %mul3A_0 = arith.muli %arg1, %mul3A : i32
    %add3A = arith.addi %mul3A_0, %arg0 : i32
    %mul3A_1 = arith.constant 512 : i32
    %mul3A_2 = arith.muli %add3A, %mul3A_1 : i32
    "tpu.region"() ({
      %run_scoped3A = tpu.sem_alloc : memref<!tpu.dma_semaphore, #tpu.memory_space<semaphore_mem>>
      %dma_start3A_482 = tpu.memref_slice %arg2[%mul3A_2] : memref<16384xi32, #tpu.memory_space<hbm>> -> memref<512xi32, #tpu.memory_space<hbm>>
      %dma_start3A_483 = tpu.memref_slice %arg2[%mul3A_2] : memref<16384xi32, #tpu.memory_space<hbm>> -> memref<512xi32, #tpu.memory_space<hbm>>
      tpu.enqueue_dma source(%dma_start3A_483 : memref<512xi32, #tpu.memory_space<hbm>>) target(%arg8 : memref<512xi32, #tpu.memory_space<vmem>>) target_semaphore(%run_scoped3A : memref<!tpu.dma_semaphore, #tpu.memory_space<semaphore_mem>>)
      %dma_wait3A_484 = tpu.memref_slice %arg2[%mul3A_2] : memref<16384xi32, #tpu.memory_space<hbm>> -> memref<512xi32, #tpu.memory_space<hbm>>
      %dma_wait3A_485 = tpu.memref_slice %arg2[%mul3A_2] : memref<16384xi32, #tpu.memory_space<hbm>> -> memref<512xi32, #tpu.memory_space<hbm>>
      tpu.wait_dma2 semaphore(%run_scoped3A : memref<!tpu.dma_semaphore, #tpu.memory_space<semaphore_mem>>) src(%dma_wait3A_485 : memref<512xi32, #tpu.memory_space<hbm>>) dst(%arg8 : memref<512xi32, #tpu.memory_space<vmem>>)
      tpu.yield
    }) : () -> ()
    "tpu.region"() ({
      %run_scoped3A = tpu.sem_alloc : memref<!tpu.dma_semaphore, #tpu.memory_space<semaphore_mem>>
      %dma_start3A_482 = tpu.memref_slice %arg3[%mul3A_2] : memref<16384xi32, #tpu.memory_space<hbm>> -> memref<512xi32, #tpu.memory_space<hbm>>
      %dma_start3A_483 = tpu.memref_slice %arg3[%mul3A_2] : memref<16384xi32, #tpu.memory_space<hbm>> -> memref<512xi32, #tpu.memory_space<hbm>>
      tpu.enqueue_dma source(%dma_start3A_483 : memref<512xi32, #tpu.memory_space<hbm>>) target(%arg9 : memref<512xi32, #tpu.memory_space<vmem>>) target_semaphore(%run_scoped3A : memref<!tpu.dma_semaphore, #tpu.memory_space<semaphore_mem>>)
      %dma_wait3A_484 = tpu.memref_slice %arg3[%mul3A_2] : memref<16384xi32, #tpu.memory_space<hbm>> -> memref<512xi32, #tpu.memory_space<hbm>>
      %dma_wait3A_485 = tpu.memref_slice %arg3[%mul3A_2] : memref<16384xi32, #tpu.memory_space<hbm>> -> memref<512xi32, #tpu.memory_space<hbm>>
      tpu.wait_dma2 semaphore(%run_scoped3A : memref<!tpu.dma_semaphore, #tpu.memory_space<semaphore_mem>>) src(%dma_wait3A_485 : memref<512xi32, #tpu.memory_space<hbm>>) dst(%arg9 : memref<512xi32, #tpu.memory_space<vmem>>)
      tpu.yield
    }) : () -> ()
    "tpu.region"() ({
      %run_scoped3A = tpu.sem_alloc : memref<!tpu.dma_semaphore, #tpu.memory_space<semaphore_mem>>
      tpu.enqueue_dma source(%arg6 : memref<16xf32, #tpu.memory_space<hbm>>) target(%arg12 : memref<16xf32, #tpu.memory_space<vmem>>) target_semaphore(%run_scoped3A : memref<!tpu.dma_semaphore, #tpu.memory_space<semaphore_mem>>)
      tpu.wait_dma2 semaphore(%run_scoped3A : memref<!tpu.dma_semaphore, #tpu.memory_space<semaphore_mem>>) src(%arg6 : memref<16xf32, #tpu.memory_space<hbm>>) dst(%arg12 : memref<16xf32, #tpu.memory_space<vmem>>)
      tpu.yield
    }) : () -> ()
    %dma_start3A = arith.constant 0 : i32
    %dma_start3A_3 = tpu.memref_slice %arg10[%dma_start3A] : memref<512xf32, #tpu.memory_space<vmem>> -> memref<128xf32, #tpu.memory_space<vmem>>
    %dma_start3A_4 = arith.constant 0 : i32
    %dma_start3A_5 = tpu.memref_slice %arg8[%dma_start3A_4] : memref<512xi32, #tpu.memory_space<vmem>> -> memref<128xi32, #tpu.memory_space<vmem>>
    %dma_start3A_6 = arith.constant 0 : i32
    %dma_start3A_7 = tpu.memref_slice %arg4[%dma_start3A_6] : memref<1000000xf32, #tpu.memory_space<hbm>> -> memref<1000000xf32, #tpu.memory_space<hbm>>
    tpu.enqueue_indirect_dma source(%dma_start3A_7 : memref<1000000xf32, #tpu.memory_space<hbm>>) target(%dma_start3A_3 : memref<128xf32, #tpu.memory_space<vmem>>) offsets(%dma_start3A_5 : memref<128xi32, #tpu.memory_space<vmem>>) semaphore(%arg14 : memref<!tpu.dma_semaphore, #tpu.memory_space<semaphore_mem>>)
    %dma_start3A_8 = arith.constant 0 : i32
    %dma_start3A_9 = tpu.memref_slice %arg11[%dma_start3A_8] : memref<512xf32, #tpu.memory_space<vmem>> -> memref<128xf32, #tpu.memory_space<vmem>>
    %dma_start3A_10 = arith.constant 0 : i32
    %dma_start3A_11 = tpu.memref_slice %arg9[%dma_start3A_10] : memref<512xi32, #tpu.memory_space<vmem>> -> memref<128xi32, #tpu.memory_space<vmem>>
    %dma_start3A_12 = arith.constant 0 : i32
    %dma_start3A_13 = tpu.memref_slice %arg5[%dma_start3A_12] : memref<1000000xf32, #tpu.memory_space<hbm>> -> memref<1000000xf32, #tpu.memory_space<hbm>>
    tpu.enqueue_indirect_dma source(%dma_start3A_13 : memref<1000000xf32, #tpu.memory_space<hbm>>) target(%dma_start3A_9 : memref<128xf32, #tpu.memory_space<vmem>>) offsets(%dma_start3A_11 : memref<128xi32, #tpu.memory_space<vmem>>) semaphore(%arg14 : memref<!tpu.dma_semaphore, #tpu.memory_space<semaphore_mem>>)
    %dma_start3A_14 = arith.constant 128 : i32
    %dma_start3A_15 = tpu.memref_slice %arg10[%dma_start3A_14] : memref<512xf32, #tpu.memory_space<vmem>> -> memref<128xf32, #tpu.memory_space<vmem>>
    %dma_start3A_16 = arith.constant 128 : i32
    %dma_start3A_17 = tpu.memref_slice %arg8[%dma_start3A_16] : memref<512xi32, #tpu.memory_space<vmem>> -> memref<128xi32, #tpu.memory_space<vmem>>
    %dma_start3A_18 = arith.constant 0 : i32
    %dma_start3A_19 = tpu.memref_slice %arg4[%dma_start3A_18] : memref<1000000xf32, #tpu.memory_space<hbm>> -> memref<1000000xf32, #tpu.memory_space<hbm>>
    tpu.enqueue_indirect_dma source(%dma_start3A_19 : memref<1000000xf32, #tpu.memory_space<hbm>>) target(%dma_start3A_15 : memref<128xf32, #tpu.memory_space<vmem>>) offsets(%dma_start3A_17 : memref<128xi32, #tpu.memory_space<vmem>>) semaphore(%arg14 : memref<!tpu.dma_semaphore, #tpu.memory_space<semaphore_mem>>)
    %dma_start3A_20 = arith.constant 128 : i32
    %dma_start3A_21 = tpu.memref_slice %arg11[%dma_start3A_20] : memref<512xf32, #tpu.memory_space<vmem>> -> memref<128xf32, #tpu.memory_space<vmem>>
    %dma_start3A_22 = arith.constant 128 : i32
    %dma_start3A_23 = tpu.memref_slice %arg9[%dma_start3A_22] : memref<512xi32, #tpu.memory_space<vmem>> -> memref<128xi32, #tpu.memory_space<vmem>>
    %dma_start3A_24 = arith.constant 0 : i32
    %dma_start3A_25 = tpu.memref_slice %arg5[%dma_start3A_24] : memref<1000000xf32, #tpu.memory_space<hbm>> -> memref<1000000xf32, #tpu.memory_space<hbm>>
    tpu.enqueue_indirect_dma source(%dma_start3A_25 : memref<1000000xf32, #tpu.memory_space<hbm>>) target(%dma_start3A_21 : memref<128xf32, #tpu.memory_space<vmem>>) offsets(%dma_start3A_23 : memref<128xi32, #tpu.memory_space<vmem>>) semaphore(%arg14 : memref<!tpu.dma_semaphore, #tpu.memory_space<semaphore_mem>>)
    %dma_start3A_26 = arith.constant 256 : i32
    %dma_start3A_27 = tpu.memref_slice %arg10[%dma_start3A_26] : memref<512xf32, #tpu.memory_space<vmem>> -> memref<128xf32, #tpu.memory_space<vmem>>
    %dma_start3A_28 = arith.constant 256 : i32
    %dma_start3A_29 = tpu.memref_slice %arg8[%dma_start3A_28] : memref<512xi32, #tpu.memory_space<vmem>> -> memref<128xi32, #tpu.memory_space<vmem>>
    %dma_start3A_30 = arith.constant 0 : i32
    %dma_start3A_31 = tpu.memref_slice %arg4[%dma_start3A_30] : memref<1000000xf32, #tpu.memory_space<hbm>> -> memref<1000000xf32, #tpu.memory_space<hbm>>
    tpu.enqueue_indirect_dma source(%dma_start3A_31 : memref<1000000xf32, #tpu.memory_space<hbm>>) target(%dma_start3A_27 : memref<128xf32, #tpu.memory_space<vmem>>) offsets(%dma_start3A_29 : memref<128xi32, #tpu.memory_space<vmem>>) semaphore(%arg14 : memref<!tpu.dma_semaphore, #tpu.memory_space<semaphore_mem>>)
    %dma_start3A_32 = arith.constant 256 : i32
    %dma_start3A_33 = tpu.memref_slice %arg11[%dma_start3A_32] : memref<512xf32, #tpu.memory_space<vmem>> -> memref<128xf32, #tpu.memory_space<vmem>>
    %dma_start3A_34 = arith.constant 256 : i32
    %dma_start3A_35 = tpu.memref_slice %arg9[%dma_start3A_34] : memref<512xi32, #tpu.memory_space<vmem>> -> memref<128xi32, #tpu.memory_space<vmem>>
    %dma_start3A_36 = arith.constant 0 : i32
    %dma_start3A_37 = tpu.memref_slice %arg5[%dma_start3A_36] : memref<1000000xf32, #tpu.memory_space<hbm>> -> memref<1000000xf32, #tpu.memory_space<hbm>>
    tpu.enqueue_indirect_dma source(%dma_start3A_37 : memref<1000000xf32, #tpu.memory_space<hbm>>) target(%dma_start3A_33 : memref<128xf32, #tpu.memory_space<vmem>>) offsets(%dma_start3A_35 : memref<128xi32, #tpu.memory_space<vmem>>) semaphore(%arg14 : memref<!tpu.dma_semaphore, #tpu.memory_space<semaphore_mem>>)
    %dma_start3A_38 = arith.constant 384 : i32
    %dma_start3A_39 = tpu.memref_slice %arg10[%dma_start3A_38] : memref<512xf32, #tpu.memory_space<vmem>> -> memref<128xf32, #tpu.memory_space<vmem>>
    %dma_start3A_40 = arith.constant 384 : i32
    %dma_start3A_41 = tpu.memref_slice %arg8[%dma_start3A_40] : memref<512xi32, #tpu.memory_space<vmem>> -> memref<128xi32, #tpu.memory_space<vmem>>
    %dma_start3A_42 = arith.constant 0 : i32
    %dma_start3A_43 = tpu.memref_slice %arg4[%dma_start3A_42] : memref<1000000xf32, #tpu.memory_space<hbm>> -> memref<1000000xf32, #tpu.memory_space<hbm>>
    tpu.enqueue_indirect_dma source(%dma_start3A_43 : memref<1000000xf32, #tpu.memory_space<hbm>>) target(%dma_start3A_39 : memref<128xf32, #tpu.memory_space<vmem>>) offsets(%dma_start3A_41 : memref<128xi32, #tpu.memory_space<vmem>>) semaphore(%arg14 : memref<!tpu.dma_semaphore, #tpu.memory_space<semaphore_mem>>)
    %dma_start3A_44 = arith.constant 384 : i32
    %dma_start3A_45 = tpu.memref_slice %arg11[%dma_start3A_44] : memref<512xf32, #tpu.memory_space<vmem>> -> memref<128xf32, #tpu.memory_space<vmem>>
    %dma_start3A_46 = arith.constant 384 : i32
    %dma_start3A_47 = tpu.memref_slice %arg9[%dma_start3A_46] : memref<512xi32, #tpu.memory_space<vmem>> -> memref<128xi32, #tpu.memory_space<vmem>>
    %dma_start3A_48 = arith.constant 0 : i32
    %dma_start3A_49 = tpu.memref_slice %arg5[%dma_start3A_48] : memref<1000000xf32, #tpu.memory_space<hbm>> -> memref<1000000xf32, #tpu.memory_space<hbm>>
    tpu.enqueue_indirect_dma source(%dma_start3A_49 : memref<1000000xf32, #tpu.memory_space<hbm>>) target(%dma_start3A_45 : memref<128xf32, #tpu.memory_space<vmem>>) offsets(%dma_start3A_47 : memref<128xi32, #tpu.memory_space<vmem>>) semaphore(%arg14 : memref<!tpu.dma_semaphore, #tpu.memory_space<semaphore_mem>>)
    %dma_wait3A = arith.constant 0 : i32
    %dma_wait3A_50 = tpu.memref_slice %arg10[%dma_wait3A] : memref<512xf32, #tpu.memory_space<vmem>> -> memref<128xf32, #tpu.memory_space<vmem>>
    %dma_wait3A_51 = arith.constant 0 : i32
    %dma_wait3A_52 = tpu.memref_slice %arg8[%dma_wait3A_51] : memref<512xi32, #tpu.memory_space<vmem>> -> memref<128xi32, #tpu.memory_space<vmem>>
    %dma_wait3A_53 = arith.constant 0 : i32
    %dma_wait3A_54 = tpu.memref_slice %arg4[%dma_wait3A_53] : memref<1000000xf32, #tpu.memory_space<hbm>> -> memref<1000000xf32, #tpu.memory_space<hbm>>
    tpu.wait_indirect_dma semaphore(%arg14 : memref<!tpu.dma_semaphore, #tpu.memory_space<semaphore_mem>>) src(%dma_wait3A_54 : memref<1000000xf32, #tpu.memory_space<hbm>>) dst(%dma_wait3A_50 : memref<128xf32, #tpu.memory_space<vmem>>)
    %dma_wait3A_55 = arith.constant 0 : i32
    %dma_wait3A_56 = tpu.memref_slice %arg11[%dma_wait3A_55] : memref<512xf32, #tpu.memory_space<vmem>> -> memref<128xf32, #tpu.memory_space<vmem>>
    %dma_wait3A_57 = arith.constant 0 : i32
    %dma_wait3A_58 = tpu.memref_slice %arg9[%dma_wait3A_57] : memref<512xi32, #tpu.memory_space<vmem>> -> memref<128xi32, #tpu.memory_space<vmem>>
    %dma_wait3A_59 = arith.constant 0 : i32
    %dma_wait3A_60 = tpu.memref_slice %arg5[%dma_wait3A_59] : memref<1000000xf32, #tpu.memory_space<hbm>> -> memref<1000000xf32, #tpu.memory_space<hbm>>
    tpu.wait_indirect_dma semaphore(%arg14 : memref<!tpu.dma_semaphore, #tpu.memory_space<semaphore_mem>>) src(%dma_wait3A_60 : memref<1000000xf32, #tpu.memory_space<hbm>>) dst(%dma_wait3A_56 : memref<128xf32, #tpu.memory_space<vmem>>)
    %dma_wait3A_61 = arith.constant 128 : i32
    %dma_wait3A_62 = tpu.memref_slice %arg10[%dma_wait3A_61] : memref<512xf32, #tpu.memory_space<vmem>> -> memref<128xf32, #tpu.memory_space<vmem>>
    %dma_wait3A_63 = arith.constant 128 : i32
    %dma_wait3A_64 = tpu.memref_slice %arg8[%dma_wait3A_63] : memref<512xi32, #tpu.memory_space<vmem>> -> memref<128xi32, #tpu.memory_space<vmem>>
    %dma_wait3A_65 = arith.constant 0 : i32
    %dma_wait3A_66 = tpu.memref_slice %arg4[%dma_wait3A_65] : memref<1000000xf32, #tpu.memory_space<hbm>> -> memref<1000000xf32, #tpu.memory_space<hbm>>
    tpu.wait_indirect_dma semaphore(%arg14 : memref<!tpu.dma_semaphore, #tpu.memory_space<semaphore_mem>>) src(%dma_wait3A_66 : memref<1000000xf32, #tpu.memory_space<hbm>>) dst(%dma_wait3A_62 : memref<128xf32, #tpu.memory_space<vmem>>)
    %dma_wait3A_67 = arith.constant 128 : i32
    %dma_wait3A_68 = tpu.memref_slice %arg11[%dma_wait3A_67] : memref<512xf32, #tpu.memory_space<vmem>> -> memref<128xf32, #tpu.memory_space<vmem>>
    %dma_wait3A_69 = arith.constant 128 : i32
    %dma_wait3A_70 = tpu.memref_slice %arg9[%dma_wait3A_69] : memref<512xi32, #tpu.memory_space<vmem>> -> memref<128xi32, #tpu.memory_space<vmem>>
    %dma_wait3A_71 = arith.constant 0 : i32
    %dma_wait3A_72 = tpu.memref_slice %arg5[%dma_wait3A_71] : memref<1000000xf32, #tpu.memory_space<hbm>> -> memref<1000000xf32, #tpu.memory_space<hbm>>
    tpu.wait_indirect_dma semaphore(%arg14 : memref<!tpu.dma_semaphore, #tpu.memory_space<semaphore_mem>>) src(%dma_wait3A_72 : memref<1000000xf32, #tpu.memory_space<hbm>>) dst(%dma_wait3A_68 : memref<128xf32, #tpu.memory_space<vmem>>)
    %dma_wait3A_73 = arith.constant 256 : i32
    %dma_wait3A_74 = tpu.memref_slice %arg10[%dma_wait3A_73] : memref<512xf32, #tpu.memory_space<vmem>> -> memref<128xf32, #tpu.memory_space<vmem>>
    %dma_wait3A_75 = arith.constant 256 : i32
    %dma_wait3A_76 = tpu.memref_slice %arg8[%dma_wait3A_75] : memref<512xi32, #tpu.memory_space<vmem>> -> memref<128xi32, #tpu.memory_space<vmem>>
    %dma_wait3A_77 = arith.constant 0 : i32
    %dma_wait3A_78 = tpu.memref_slice %arg4[%dma_wait3A_77] : memref<1000000xf32, #tpu.memory_space<hbm>> -> memref<1000000xf32, #tpu.memory_space<hbm>>
    tpu.wait_indirect_dma semaphore(%arg14 : memref<!tpu.dma_semaphore, #tpu.memory_space<semaphore_mem>>) src(%dma_wait3A_78 : memref<1000000xf32, #tpu.memory_space<hbm>>) dst(%dma_wait3A_74 : memref<128xf32, #tpu.memory_space<vmem>>)
    %dma_wait3A_79 = arith.constant 256 : i32
    %dma_wait3A_80 = tpu.memref_slice %arg11[%dma_wait3A_79] : memref<512xf32, #tpu.memory_space<vmem>> -> memref<128xf32, #tpu.memory_space<vmem>>
    %dma_wait3A_81 = arith.constant 256 : i32
    %dma_wait3A_82 = tpu.memref_slice %arg9[%dma_wait3A_81] : memref<512xi32, #tpu.memory_space<vmem>> -> memref<128xi32, #tpu.memory_space<vmem>>
    %dma_wait3A_83 = arith.constant 0 : i32
    %dma_wait3A_84 = tpu.memref_slice %arg5[%dma_wait3A_83] : memref<1000000xf32, #tpu.memory_space<hbm>> -> memref<1000000xf32, #tpu.memory_space<hbm>>
    tpu.wait_indirect_dma semaphore(%arg14 : memref<!tpu.dma_semaphore, #tpu.memory_space<semaphore_mem>>) src(%dma_wait3A_84 : memref<1000000xf32, #tpu.memory_space<hbm>>) dst(%dma_wait3A_80 : memref<128xf32, #tpu.memory_space<vmem>>)
    %dma_wait3A_85 = arith.constant 384 : i32
    %dma_wait3A_86 = tpu.memref_slice %arg10[%dma_wait3A_85] : memref<512xf32, #tpu.memory_space<vmem>> -> memref<128xf32, #tpu.memory_space<vmem>>
    %dma_wait3A_87 = arith.constant 384 : i32
    %dma_wait3A_88 = tpu.memref_slice %arg8[%dma_wait3A_87] : memref<512xi32, #tpu.memory_space<vmem>> -> memref<128xi32, #tpu.memory_space<vmem>>
    %dma_wait3A_89 = arith.constant 0 : i32
    %dma_wait3A_90 = tpu.memref_slice %arg4[%dma_wait3A_89] : memref<1000000xf32, #tpu.memory_space<hbm>> -> memref<1000000xf32, #tpu.memory_space<hbm>>
    tpu.wait_indirect_dma semaphore(%arg14 : memref<!tpu.dma_semaphore, #tpu.memory_space<semaphore_mem>>) src(%dma_wait3A_90 : memref<1000000xf32, #tpu.memory_space<hbm>>) dst(%dma_wait3A_86 : memref<128xf32, #tpu.memory_space<vmem>>)
    %dma_wait3A_91 = arith.constant 384 : i32
    %dma_wait3A_92 = tpu.memref_slice %arg11[%dma_wait3A_91] : memref<512xf32, #tpu.memory_space<vmem>> -> memref<128xf32, #tpu.memory_space<vmem>>
    %dma_wait3A_93 = arith.constant 384 : i32
    %dma_wait3A_94 = tpu.memref_slice %arg9[%dma_wait3A_93] : memref<512xi32, #tpu.memory_space<vmem>> -> memref<128xi32, #tpu.memory_space<vmem>>
    %dma_wait3A_95 = arith.constant 0 : i32
    %dma_wait3A_96 = tpu.memref_slice %arg5[%dma_wait3A_95] : memref<1000000xf32, #tpu.memory_space<hbm>> -> memref<1000000xf32, #tpu.memory_space<hbm>>
    tpu.wait_indirect_dma semaphore(%arg14 : memref<!tpu.dma_semaphore, #tpu.memory_space<semaphore_mem>>) src(%dma_wait3A_96 : memref<1000000xf32, #tpu.memory_space<hbm>>) dst(%dma_wait3A_92 : memref<128xf32, #tpu.memory_space<vmem>>)
    %get3A = arith.constant 0 : index
    %get3A_97 = tpu.vector_load %arg12[%get3A] {strides = array<i32>} : memref<16xf32, #tpu.memory_space<vmem>>, vector<16xf32>,
    %get3A_98 = vector.shape_cast %get3A_97 : vector<16xf32> to vector<16xf32>
    %get3A_99 = arith.constant 0 : index
    %get3A_100 = tpu.vector_load %arg10[%get3A_99] {strides = array<i32>} : memref<512xf32, #tpu.memory_space<vmem>>, vector<16xf32>,
    %get3A_101 = vector.shape_cast %get3A_100 : vector<16xf32> to vector<16xf32>
    %get3A_102 = arith.constant 0 : index
    %get3A_103 = tpu.vector_load %arg11[%get3A_102] {strides = array<i32>} : memref<512xf32, #tpu.memory_space<vmem>>, vector<16xf32>,
    %get3A_104 = vector.shape_cast %get3A_103 : vector<16xf32> to vector<16xf32>
    %add3A_105 = arith.addf %get3A_101, %get3A_104 : vector<16xf32>
    %add3A_106 = arith.addf %add3A_105, %get3A_98 : vector<16xf32>
    %swap3A = arith.constant 0 : index
    %swap3A_107 = tpu.vector_load %arg13[%swap3A] {strides = array<i32>} : memref<512xf32, #tpu.memory_space<vmem>>, vector<16xf32>,
    %swap3A_108 = vector.shape_cast %swap3A_107 : vector<16xf32> to vector<16xf32>
    %swap3A_109 = vector.shape_cast %add3A_106 : vector<16xf32> to vector<16xf32>
    tpu.vector_store %arg13[%swap3A], %swap3A_109 {strides = array<i32>} : memref<512xf32, #tpu.memory_space<vmem>>, vector<16xf32>,
    %get3A_110 = arith.constant 16 : index
    %get3A_111 = tpu.vector_load %arg10[%get3A_110] {strides = array<i32>} : memref<512xf32, #tpu.memory_space<vmem>>, vector<16xf32>,
    %get3A_112 = vector.shape_cast %get3A_111 : vector<16xf32> to vector<16xf32>
    %get3A_113 = arith.constant 16 : index
    %get3A_114 = tpu.vector_load %arg11[%get3A_113] {strides = array<i32>} : memref<512xf32, #tpu.memory_space<vmem>>, vector<16xf32>,
    %get3A_115 = vector.shape_cast %get3A_114 : vector<16xf32> to vector<16xf32>
    %add3A_116 = arith.addf %get3A_112, %get3A_115 : vector<16xf32>
    %add3A_117 = arith.addf %add3A_116, %get3A_98 : vector<16xf32>
    %swap3A_118 = arith.constant 16 : index
    %swap3A_119 = tpu.vector_load %arg13[%swap3A_118] {strides = array<i32>} : memref<512xf32, #tpu.memory_space<vmem>>, vector<16xf32>,
    %swap3A_120 = vector.shape_cast %swap3A_119 : vector<16xf32> to vector<16xf32>
    %swap3A_121 = vector.shape_cast %add3A_117 : vector<16xf32> to vector<16xf32>
    tpu.vector_store %arg13[%swap3A_118], %swap3A_121 {strides = array<i32>} : memref<512xf32, #tpu.memory_space<vmem>>, vector<16xf32>,
    %get3A_122 = arith.constant 32 : index
    %get3A_123 = tpu.vector_load %arg10[%get3A_122] {strides = array<i32>} : memref<512xf32, #tpu.memory_space<vmem>>, vector<16xf32>,
    %get3A_124 = vector.shape_cast %get3A_123 : vector<16xf32> to vector<16xf32>
    %get3A_125 = arith.constant 32 : index
    %get3A_126 = tpu.vector_load %arg11[%get3A_125] {strides = array<i32>} : memref<512xf32, #tpu.memory_space<vmem>>, vector<16xf32>,
    %get3A_127 = vector.shape_cast %get3A_126 : vector<16xf32> to vector<16xf32>
    %add3A_128 = arith.addf %get3A_124, %get3A_127 : vector<16xf32>
    %add3A_129 = arith.addf %add3A_128, %get3A_98 : vector<16xf32>
    %swap3A_130 = arith.constant 32 : index
    %swap3A_131 = tpu.vector_load %arg13[%swap3A_130] {strides = array<i32>} : memref<512xf32, #tpu.memory_space<vmem>>, vector<16xf32>,
    %swap3A_132 = vector.shape_cast %swap3A_131 : vector<16xf32> to vector<16xf32>
    %swap3A_133 = vector.shape_cast %add3A_129 : vector<16xf32> to vector<16xf32>
    tpu.vector_store %arg13[%swap3A_130], %swap3A_133 {strides = array<i32>} : memref<512xf32, #tpu.memory_space<vmem>>, vector<16xf32>,
    %get3A_134 = arith.constant 48 : index
    %get3A_135 = tpu.vector_load %arg10[%get3A_134] {strides = array<i32>} : memref<512xf32, #tpu.memory_space<vmem>>, vector<16xf32>,
    %get3A_136 = vector.shape_cast %get3A_135 : vector<16xf32> to vector<16xf32>
    %get3A_137 = arith.constant 48 : index
    %get3A_138 = tpu.vector_load %arg11[%get3A_137] {strides = array<i32>} : memref<512xf32, #tpu.memory_space<vmem>>, vector<16xf32>,
    %get3A_139 = vector.shape_cast %get3A_138 : vector<16xf32> to vector<16xf32>
    %add3A_140 = arith.addf %get3A_136, %get3A_139 : vector<16xf32>
    %add3A_141 = arith.addf %add3A_140, %get3A_98 : vector<16xf32>
    %swap3A_142 = arith.constant 48 : index
    %swap3A_143 = tpu.vector_load %arg13[%swap3A_142] {strides = array<i32>} : memref<512xf32, #tpu.memory_space<vmem>>, vector<16xf32>,
    %swap3A_144 = vector.shape_cast %swap3A_143 : vector<16xf32> to vector<16xf32>
    %swap3A_145 = vector.shape_cast %add3A_141 : vector<16xf32> to vector<16xf32>
    tpu.vector_store %arg13[%swap3A_142], %swap3A_145 {strides = array<i32>} : memref<512xf32, #tpu.memory_space<vmem>>, vector<16xf32>,
    %get3A_146 = arith.constant 64 : index
    %get3A_147 = tpu.vector_load %arg10[%get3A_146] {strides = array<i32>} : memref<512xf32, #tpu.memory_space<vmem>>, vector<16xf32>,
    %get3A_148 = vector.shape_cast %get3A_147 : vector<16xf32> to vector<16xf32>
    %get3A_149 = arith.constant 64 : index
    %get3A_150 = tpu.vector_load %arg11[%get3A_149] {strides = array<i32>} : memref<512xf32, #tpu.memory_space<vmem>>, vector<16xf32>,
    %get3A_151 = vector.shape_cast %get3A_150 : vector<16xf32> to vector<16xf32>
    %add3A_152 = arith.addf %get3A_148, %get3A_151 : vector<16xf32>
    %add3A_153 = arith.addf %add3A_152, %get3A_98 : vector<16xf32>
    %swap3A_154 = arith.constant 64 : index
    %swap3A_155 = tpu.vector_load %arg13[%swap3A_154] {strides = array<i32>} : memref<512xf32, #tpu.memory_space<vmem>>, vector<16xf32>,
    %swap3A_156 = vector.shape_cast %swap3A_155 : vector<16xf32> to vector<16xf32>
    %swap3A_157 = vector.shape_cast %add3A_153 : vector<16xf32> to vector<16xf32>
    tpu.vector_store %arg13[%swap3A_154], %swap3A_157 {strides = array<i32>} : memref<512xf32, #tpu.memory_space<vmem>>, vector<16xf32>,
    %get3A_158 = arith.constant 80 : index
    %get3A_159 = tpu.vector_load %arg10[%get3A_158] {strides = array<i32>} : memref<512xf32, #tpu.memory_space<vmem>>, vector<16xf32>,
    %get3A_160 = vector.shape_cast %get3A_159 : vector<16xf32> to vector<16xf32>
    %get3A_161 = arith.constant 80 : index
    %get3A_162 = tpu.vector_load %arg11[%get3A_161] {strides = array<i32>} : memref<512xf32, #tpu.memory_space<vmem>>, vector<16xf32>,
    %get3A_163 = vector.shape_cast %get3A_162 : vector<16xf32> to vector<16xf32>
    %add3A_164 = arith.addf %get3A_160, %get3A_163 : vector<16xf32>
    %add3A_165 = arith.addf %add3A_164, %get3A_98 : vector<16xf32>
    %swap3A_166 = arith.constant 80 : index
    %swap3A_167 = tpu.vector_load %arg13[%swap3A_166] {strides = array<i32>} : memref<512xf32, #tpu.memory_space<vmem>>, vector<16xf32>,
    %swap3A_168 = vector.shape_cast %swap3A_167 : vector<16xf32> to vector<16xf32>
    %swap3A_169 = vector.shape_cast %add3A_165 : vector<16xf32> to vector<16xf32>
    tpu.vector_store %arg13[%swap3A_166], %swap3A_169 {strides = array<i32>} : memref<512xf32, #tpu.memory_space<vmem>>, vector<16xf32>,
    %get3A_170 = arith.constant 96 : index
    %get3A_171 = tpu.vector_load %arg10[%get3A_170] {strides = array<i32>} : memref<512xf32, #tpu.memory_space<vmem>>, vector<16xf32>,
    %get3A_172 = vector.shape_cast %get3A_171 : vector<16xf32> to vector<16xf32>
    %get3A_173 = arith.constant 96 : index
    %get3A_174 = tpu.vector_load %arg11[%get3A_173] {strides = array<i32>} : memref<512xf32, #tpu.memory_space<vmem>>, vector<16xf32>,
    %get3A_175 = vector.shape_cast %get3A_174 : vector<16xf32> to vector<16xf32>
    %add3A_176 = arith.addf %get3A_172, %get3A_175 : vector<16xf32>
    %add3A_177 = arith.addf %add3A_176, %get3A_98 : vector<16xf32>
    %swap3A_178 = arith.constant 96 : index
    %swap3A_179 = tpu.vector_load %arg13[%swap3A_178] {strides = array<i32>} : memref<512xf32, #tpu.memory_space<vmem>>, vector<16xf32>,
    %swap3A_180 = vector.shape_cast %swap3A_179 : vector<16xf32> to vector<16xf32>
    %swap3A_181 = vector.shape_cast %add3A_177 : vector<16xf32> to vector<16xf32>
    tpu.vector_store %arg13[%swap3A_178], %swap3A_181 {strides = array<i32>} : memref<512xf32, #tpu.memory_space<vmem>>, vector<16xf32>,
    %get3A_182 = arith.constant 112 : index
    %get3A_183 = tpu.vector_load %arg10[%get3A_182] {strides = array<i32>} : memref<512xf32, #tpu.memory_space<vmem>>, vector<16xf32>,
    %get3A_184 = vector.shape_cast %get3A_183 : vector<16xf32> to vector<16xf32>
    %get3A_185 = arith.constant 112 : index
    %get3A_186 = tpu.vector_load %arg11[%get3A_185] {strides = array<i32>} : memref<512xf32, #tpu.memory_space<vmem>>, vector<16xf32>,
    %get3A_187 = vector.shape_cast %get3A_186 : vector<16xf32> to vector<16xf32>
    %add3A_188 = arith.addf %get3A_184, %get3A_187 : vector<16xf32>
    %add3A_189 = arith.addf %add3A_188, %get3A_98 : vector<16xf32>
    %swap3A_190 = arith.constant 112 : index
    %swap3A_191 = tpu.vector_load %arg13[%swap3A_190] {strides = array<i32>} : memref<512xf32, #tpu.memory_space<vmem>>, vector<16xf32>,
    %swap3A_192 = vector.shape_cast %swap3A_191 : vector<16xf32> to vector<16xf32>
    %swap3A_193 = vector.shape_cast %add3A_189 : vector<16xf32> to vector<16xf32>
    tpu.vector_store %arg13[%swap3A_190], %swap3A_193 {strides = array<i32>} : memref<512xf32, #tpu.memory_space<vmem>>, vector<16xf32>,
    %get3A_194 = arith.constant 128 : index
    %get3A_195 = tpu.vector_load %arg10[%get3A_194] {strides = array<i32>} : memref<512xf32, #tpu.memory_space<vmem>>, vector<16xf32>,
    %get3A_196 = vector.shape_cast %get3A_195 : vector<16xf32> to vector<16xf32>
    %get3A_197 = arith.constant 128 : index
    %get3A_198 = tpu.vector_load %arg11[%get3A_197] {strides = array<i32>} : memref<512xf32, #tpu.memory_space<vmem>>, vector<16xf32>,
    %get3A_199 = vector.shape_cast %get3A_198 : vector<16xf32> to vector<16xf32>
    %add3A_200 = arith.addf %get3A_196, %get3A_199 : vector<16xf32>
    %add3A_201 = arith.addf %add3A_200, %get3A_98 : vector<16xf32>
    %swap3A_202 = arith.constant 128 : index
    %swap3A_203 = tpu.vector_load %arg13[%swap3A_202] {strides = array<i32>} : memref<512xf32, #tpu.memory_space<vmem>>, vector<16xf32>,
    %swap3A_204 = vector.shape_cast %swap3A_203 : vector<16xf32> to vector<16xf32>
    %swap3A_205 = vector.shape_cast %add3A_201 : vector<16xf32> to vector<16xf32>
    tpu.vector_store %arg13[%swap3A_202], %swap3A_205 {strides = array<i32>} : memref<512xf32, #tpu.memory_space<vmem>>, vector<16xf32>,
    %get3A_206 = arith.constant 144 : index
    %get3A_207 = tpu.vector_load %arg10[%get3A_206] {strides = array<i32>} : memref<512xf32, #tpu.memory_space<vmem>>, vector<16xf32>,
    %get3A_208 = vector.shape_cast %get3A_207 : vector<16xf32> to vector<16xf32>
    %get3A_209 = arith.constant 144 : index
    %get3A_210 = tpu.vector_load %arg11[%get3A_209] {strides = array<i32>} : memref<512xf32, #tpu.memory_space<vmem>>, vector<16xf32>,
    %get3A_211 = vector.shape_cast %get3A_210 : vector<16xf32> to vector<16xf32>
    %add3A_212 = arith.addf %get3A_208, %get3A_211 : vector<16xf32>
    %add3A_213 = arith.addf %add3A_212, %get3A_98 : vector<16xf32>
    %swap3A_214 = arith.constant 144 : index
    %swap3A_215 = tpu.vector_load %arg13[%swap3A_214] {strides = array<i32>} : memref<512xf32, #tpu.memory_space<vmem>>, vector<16xf32>,
    %swap3A_216 = vector.shape_cast %swap3A_215 : vector<16xf32> to vector<16xf32>
    %swap3A_217 = vector.shape_cast %add3A_213 : vector<16xf32> to vector<16xf32>
    tpu.vector_store %arg13[%swap3A_214], %swap3A_217 {strides = array<i32>} : memref<512xf32, #tpu.memory_space<vmem>>, vector<16xf32>,
    %get3A_218 = arith.constant 160 : index
    %get3A_219 = tpu.vector_load %arg10[%get3A_218] {strides = array<i32>} : memref<512xf32, #tpu.memory_space<vmem>>, vector<16xf32>,
    %get3A_220 = vector.shape_cast %get3A_219 : vector<16xf32> to vector<16xf32>
    %get3A_221 = arith.constant 160 : index
    %get3A_222 = tpu.vector_load %arg11[%get3A_221] {strides = array<i32>} : memref<512xf32, #tpu.memory_space<vmem>>, vector<16xf32>,
    %get3A_223 = vector.shape_cast %get3A_222 : vector<16xf32> to vector<16xf32>
    %add3A_224 = arith.addf %get3A_220, %get3A_223 : vector<16xf32>
    %add3A_225 = arith.addf %add3A_224, %get3A_98 : vector<16xf32>
    %swap3A_226 = arith.constant 160 : index
    %swap3A_227 = tpu.vector_load %arg13[%swap3A_226] {strides = array<i32>} : memref<512xf32, #tpu.memory_space<vmem>>, vector<16xf32>,
    %swap3A_228 = vector.shape_cast %swap3A_227 : vector<16xf32> to vector<16xf32>
    %swap3A_229 = vector.shape_cast %add3A_225 : vector<16xf32> to vector<16xf32>
    tpu.vector_store %arg13[%swap3A_226], %swap3A_229 {strides = array<i32>} : memref<512xf32, #tpu.memory_space<vmem>>, vector<16xf32>,
    %get3A_230 = arith.constant 176 : index
    %get3A_231 = tpu.vector_load %arg10[%get3A_230] {strides = array<i32>} : memref<512xf32, #tpu.memory_space<vmem>>, vector<16xf32>,
    %get3A_232 = vector.shape_cast %get3A_231 : vector<16xf32> to vector<16xf32>
    %get3A_233 = arith.constant 176 : index
    %get3A_234 = tpu.vector_load %arg11[%get3A_233] {strides = array<i32>} : memref<512xf32, #tpu.memory_space<vmem>>, vector<16xf32>,
    %get3A_235 = vector.shape_cast %get3A_234 : vector<16xf32> to vector<16xf32>
    %add3A_236 = arith.addf %get3A_232, %get3A_235 : vector<16xf32>
    %add3A_237 = arith.addf %add3A_236, %get3A_98 : vector<16xf32>
    %swap3A_238 = arith.constant 176 : index
    %swap3A_239 = tpu.vector_load %arg13[%swap3A_238] {strides = array<i32>} : memref<512xf32, #tpu.memory_space<vmem>>, vector<16xf32>,
    %swap3A_240 = vector.shape_cast %swap3A_239 : vector<16xf32> to vector<16xf32>
    %swap3A_241 = vector.shape_cast %add3A_237 : vector<16xf32> to vector<16xf32>
    tpu.vector_store %arg13[%swap3A_238], %swap3A_241 {strides = array<i32>} : memref<512xf32, #tpu.memory_space<vmem>>, vector<16xf32>,
    %get3A_242 = arith.constant 192 : index
    %get3A_243 = tpu.vector_load %arg10[%get3A_242] {strides = array<i32>} : memref<512xf32, #tpu.memory_space<vmem>>, vector<16xf32>,
    %get3A_244 = vector.shape_cast %get3A_243 : vector<16xf32> to vector<16xf32>
    %get3A_245 = arith.constant 192 : index
    %get3A_246 = tpu.vector_load %arg11[%get3A_245] {strides = array<i32>} : memref<512xf32, #tpu.memory_space<vmem>>, vector<16xf32>,
    %get3A_247 = vector.shape_cast %get3A_246 : vector<16xf32> to vector<16xf32>
    %add3A_248 = arith.addf %get3A_244, %get3A_247 : vector<16xf32>
    %add3A_249 = arith.addf %add3A_248, %get3A_98 : vector<16xf32>
    %swap3A_250 = arith.constant 192 : index
    %swap3A_251 = tpu.vector_load %arg13[%swap3A_250] {strides = array<i32>} : memref<512xf32, #tpu.memory_space<vmem>>, vector<16xf32>,
    %swap3A_252 = vector.shape_cast %swap3A_251 : vector<16xf32> to vector<16xf32>
    %swap3A_253 = vector.shape_cast %add3A_249 : vector<16xf32> to vector<16xf32>
    tpu.vector_store %arg13[%swap3A_250], %swap3A_253 {strides = array<i32>} : memref<512xf32, #tpu.memory_space<vmem>>, vector<16xf32>,
    %get3A_254 = arith.constant 208 : index
    %get3A_255 = tpu.vector_load %arg10[%get3A_254] {strides = array<i32>} : memref<512xf32, #tpu.memory_space<vmem>>, vector<16xf32>,
    %get3A_256 = vector.shape_cast %get3A_255 : vector<16xf32> to vector<16xf32>
    %get3A_257 = arith.constant 208 : index
    %get3A_258 = tpu.vector_load %arg11[%get3A_257] {strides = array<i32>} : memref<512xf32, #tpu.memory_space<vmem>>, vector<16xf32>,
    %get3A_259 = vector.shape_cast %get3A_258 : vector<16xf32> to vector<16xf32>
    %add3A_260 = arith.addf %get3A_256, %get3A_259 : vector<16xf32>
    %add3A_261 = arith.addf %add3A_260, %get3A_98 : vector<16xf32>
    %swap3A_262 = arith.constant 208 : index
    %swap3A_263 = tpu.vector_load %arg13[%swap3A_262] {strides = array<i32>} : memref<512xf32, #tpu.memory_space<vmem>>, vector<16xf32>,
    %swap3A_264 = vector.shape_cast %swap3A_263 : vector<16xf32> to vector<16xf32>
    %swap3A_265 = vector.shape_cast %add3A_261 : vector<16xf32> to vector<16xf32>
    tpu.vector_store %arg13[%swap3A_262], %swap3A_265 {strides = array<i32>} : memref<512xf32, #tpu.memory_space<vmem>>, vector<16xf32>,
    %get3A_266 = arith.constant 224 : index
    %get3A_267 = tpu.vector_load %arg10[%get3A_266] {strides = array<i32>} : memref<512xf32, #tpu.memory_space<vmem>>, vector<16xf32>,
    %get3A_268 = vector.shape_cast %get3A_267 : vector<16xf32> to vector<16xf32>
    %get3A_269 = arith.constant 224 : index
    %get3A_270 = tpu.vector_load %arg11[%get3A_269] {strides = array<i32>} : memref<512xf32, #tpu.memory_space<vmem>>, vector<16xf32>,
    %get3A_271 = vector.shape_cast %get3A_270 : vector<16xf32> to vector<16xf32>
    %add3A_272 = arith.addf %get3A_268, %get3A_271 : vector<16xf32>
    %add3A_273 = arith.addf %add3A_272, %get3A_98 : vector<16xf32>
    %swap3A_274 = arith.constant 224 : index
    %swap3A_275 = tpu.vector_load %arg13[%swap3A_274] {strides = array<i32>} : memref<512xf32, #tpu.memory_space<vmem>>, vector<16xf32>,
    %swap3A_276 = vector.shape_cast %swap3A_275 : vector<16xf32> to vector<16xf32>
    %swap3A_277 = vector.shape_cast %add3A_273 : vector<16xf32> to vector<16xf32>
    tpu.vector_store %arg13[%swap3A_274], %swap3A_277 {strides = array<i32>} : memref<512xf32, #tpu.memory_space<vmem>>, vector<16xf32>,
    %get3A_278 = arith.constant 240 : index
    %get3A_279 = tpu.vector_load %arg10[%get3A_278] {strides = array<i32>} : memref<512xf32, #tpu.memory_space<vmem>>, vector<16xf32>,
    %get3A_280 = vector.shape_cast %get3A_279 : vector<16xf32> to vector<16xf32>
    %get3A_281 = arith.constant 240 : index
    %get3A_282 = tpu.vector_load %arg11[%get3A_281] {strides = array<i32>} : memref<512xf32, #tpu.memory_space<vmem>>, vector<16xf32>,
    %get3A_283 = vector.shape_cast %get3A_282 : vector<16xf32> to vector<16xf32>
    %add3A_284 = arith.addf %get3A_280, %get3A_283 : vector<16xf32>
    %add3A_285 = arith.addf %add3A_284, %get3A_98 : vector<16xf32>
    %swap3A_286 = arith.constant 240 : index
    %swap3A_287 = tpu.vector_load %arg13[%swap3A_286] {strides = array<i32>} : memref<512xf32, #tpu.memory_space<vmem>>, vector<16xf32>,
    %swap3A_288 = vector.shape_cast %swap3A_287 : vector<16xf32> to vector<16xf32>
    %swap3A_289 = vector.shape_cast %add3A_285 : vector<16xf32> to vector<16xf32>
    tpu.vector_store %arg13[%swap3A_286], %swap3A_289 {strides = array<i32>} : memref<512xf32, #tpu.memory_space<vmem>>, vector<16xf32>,
    %get3A_290 = arith.constant 256 : index
    %get3A_291 = tpu.vector_load %arg10[%get3A_290] {strides = array<i32>} : memref<512xf32, #tpu.memory_space<vmem>>, vector<16xf32>,
    %get3A_292 = vector.shape_cast %get3A_291 : vector<16xf32> to vector<16xf32>
    %get3A_293 = arith.constant 256 : index
    %get3A_294 = tpu.vector_load %arg11[%get3A_293] {strides = array<i32>} : memref<512xf32, #tpu.memory_space<vmem>>, vector<16xf32>,
    %get3A_295 = vector.shape_cast %get3A_294 : vector<16xf32> to vector<16xf32>
    %add3A_296 = arith.addf %get3A_292, %get3A_295 : vector<16xf32>
    %add3A_297 = arith.addf %add3A_296, %get3A_98 : vector<16xf32>
    %swap3A_298 = arith.constant 256 : index
    %swap3A_299 = tpu.vector_load %arg13[%swap3A_298] {strides = array<i32>} : memref<512xf32, #tpu.memory_space<vmem>>, vector<16xf32>,
    %swap3A_300 = vector.shape_cast %swap3A_299 : vector<16xf32> to vector<16xf32>
    %swap3A_301 = vector.shape_cast %add3A_297 : vector<16xf32> to vector<16xf32>
    tpu.vector_store %arg13[%swap3A_298], %swap3A_301 {strides = array<i32>} : memref<512xf32, #tpu.memory_space<vmem>>, vector<16xf32>,
    %get3A_302 = arith.constant 272 : index
    %get3A_303 = tpu.vector_load %arg10[%get3A_302] {strides = array<i32>} : memref<512xf32, #tpu.memory_space<vmem>>, vector<16xf32>,
    %get3A_304 = vector.shape_cast %get3A_303 : vector<16xf32> to vector<16xf32>
    %get3A_305 = arith.constant 272 : index
    %get3A_306 = tpu.vector_load %arg11[%get3A_305] {strides = array<i32>} : memref<512xf32, #tpu.memory_space<vmem>>, vector<16xf32>,
    %get3A_307 = vector.shape_cast %get3A_306 : vector<16xf32> to vector<16xf32>
    %add3A_308 = arith.addf %get3A_304, %get3A_307 : vector<16xf32>
    %add3A_309 = arith.addf %add3A_308, %get3A_98 : vector<16xf32>
    %swap3A_310 = arith.constant 272 : index
    %swap3A_311 = tpu.vector_load %arg13[%swap3A_310] {strides = array<i32>} : memref<512xf32, #tpu.memory_space<vmem>>, vector<16xf32>,
    %swap3A_312 = vector.shape_cast %swap3A_311 : vector<16xf32> to vector<16xf32>
    %swap3A_313 = vector.shape_cast %add3A_309 : vector<16xf32> to vector<16xf32>
    tpu.vector_store %arg13[%swap3A_310], %swap3A_313 {strides = array<i32>} : memref<512xf32, #tpu.memory_space<vmem>>, vector<16xf32>,
    %get3A_314 = arith.constant 288 : index
    %get3A_315 = tpu.vector_load %arg10[%get3A_314] {strides = array<i32>} : memref<512xf32, #tpu.memory_space<vmem>>, vector<16xf32>,
    %get3A_316 = vector.shape_cast %get3A_315 : vector<16xf32> to vector<16xf32>
    %get3A_317 = arith.constant 288 : index
    %get3A_318 = tpu.vector_load %arg11[%get3A_317] {strides = array<i32>} : memref<512xf32, #tpu.memory_space<vmem>>, vector<16xf32>,
    %get3A_319 = vector.shape_cast %get3A_318 : vector<16xf32> to vector<16xf32>
    %add3A_320 = arith.addf %get3A_316, %get3A_319 : vector<16xf32>
    %add3A_321 = arith.addf %add3A_320, %get3A_98 : vector<16xf32>
    %swap3A_322 = arith.constant 288 : index
    %swap3A_323 = tpu.vector_load %arg13[%swap3A_322] {strides = array<i32>} : memref<512xf32, #tpu.memory_space<vmem>>, vector<16xf32>,
    %swap3A_324 = vector.shape_cast %swap3A_323 : vector<16xf32> to vector<16xf32>
    %swap3A_325 = vector.shape_cast %add3A_321 : vector<16xf32> to vector<16xf32>
    tpu.vector_store %arg13[%swap3A_322], %swap3A_325 {strides = array<i32>} : memref<512xf32, #tpu.memory_space<vmem>>, vector<16xf32>,
    %get3A_326 = arith.constant 304 : index
    %get3A_327 = tpu.vector_load %arg10[%get3A_326] {strides = array<i32>} : memref<512xf32, #tpu.memory_space<vmem>>, vector<16xf32>,
    %get3A_328 = vector.shape_cast %get3A_327 : vector<16xf32> to vector<16xf32>
    %get3A_329 = arith.constant 304 : index
    %get3A_330 = tpu.vector_load %arg11[%get3A_329] {strides = array<i32>} : memref<512xf32, #tpu.memory_space<vmem>>, vector<16xf32>,
    %get3A_331 = vector.shape_cast %get3A_330 : vector<16xf32> to vector<16xf32>
    %add3A_332 = arith.addf %get3A_328, %get3A_331 : vector<16xf32>
    %add3A_333 = arith.addf %add3A_332, %get3A_98 : vector<16xf32>
    %swap3A_334 = arith.constant 304 : index
    %swap3A_335 = tpu.vector_load %arg13[%swap3A_334] {strides = array<i32>} : memref<512xf32, #tpu.memory_space<vmem>>, vector<16xf32>,
    %swap3A_336 = vector.shape_cast %swap3A_335 : vector<16xf32> to vector<16xf32>
    %swap3A_337 = vector.shape_cast %add3A_333 : vector<16xf32> to vector<16xf32>
    tpu.vector_store %arg13[%swap3A_334], %swap3A_337 {strides = array<i32>} : memref<512xf32, #tpu.memory_space<vmem>>, vector<16xf32>,
    %get3A_338 = arith.constant 320 : index
    %get3A_339 = tpu.vector_load %arg10[%get3A_338] {strides = array<i32>} : memref<512xf32, #tpu.memory_space<vmem>>, vector<16xf32>,
    %get3A_340 = vector.shape_cast %get3A_339 : vector<16xf32> to vector<16xf32>
    %get3A_341 = arith.constant 320 : index
    %get3A_342 = tpu.vector_load %arg11[%get3A_341] {strides = array<i32>} : memref<512xf32, #tpu.memory_space<vmem>>, vector<16xf32>,
    %get3A_343 = vector.shape_cast %get3A_342 : vector<16xf32> to vector<16xf32>
    %add3A_344 = arith.addf %get3A_340, %get3A_343 : vector<16xf32>
    %add3A_345 = arith.addf %add3A_344, %get3A_98 : vector<16xf32>
    %swap3A_346 = arith.constant 320 : index
    %swap3A_347 = tpu.vector_load %arg13[%swap3A_346] {strides = array<i32>} : memref<512xf32, #tpu.memory_space<vmem>>, vector<16xf32>,
    %swap3A_348 = vector.shape_cast %swap3A_347 : vector<16xf32> to vector<16xf32>
    %swap3A_349 = vector.shape_cast %add3A_345 : vector<16xf32> to vector<16xf32>
    tpu.vector_store %arg13[%swap3A_346], %swap3A_349 {strides = array<i32>} : memref<512xf32, #tpu.memory_space<vmem>>, vector<16xf32>,
    %get3A_350 = arith.constant 336 : index
    %get3A_351 = tpu.vector_load %arg10[%get3A_350] {strides = array<i32>} : memref<512xf32, #tpu.memory_space<vmem>>, vector<16xf32>,
    %get3A_352 = vector.shape_cast %get3A_351 : vector<16xf32> to vector<16xf32>
    %get3A_353 = arith.constant 336 : index
    %get3A_354 = tpu.vector_load %arg11[%get3A_353] {strides = array<i32>} : memref<512xf32, #tpu.memory_space<vmem>>, vector<16xf32>,
    %get3A_355 = vector.shape_cast %get3A_354 : vector<16xf32> to vector<16xf32>
    %add3A_356 = arith.addf %get3A_352, %get3A_355 : vector<16xf32>
    %add3A_357 = arith.addf %add3A_356, %get3A_98 : vector<16xf32>
    %swap3A_358 = arith.constant 336 : index
    %swap3A_359 = tpu.vector_load %arg13[%swap3A_358] {strides = array<i32>} : memref<512xf32, #tpu.memory_space<vmem>>, vector<16xf32>,
    %swap3A_360 = vector.shape_cast %swap3A_359 : vector<16xf32> to vector<16xf32>
    %swap3A_361 = vector.shape_cast %add3A_357 : vector<16xf32> to vector<16xf32>
    tpu.vector_store %arg13[%swap3A_358], %swap3A_361 {strides = array<i32>} : memref<512xf32, #tpu.memory_space<vmem>>, vector<16xf32>,
    %get3A_362 = arith.constant 352 : index
    %get3A_363 = tpu.vector_load %arg10[%get3A_362] {strides = array<i32>} : memref<512xf32, #tpu.memory_space<vmem>>, vector<16xf32>,
    %get3A_364 = vector.shape_cast %get3A_363 : vector<16xf32> to vector<16xf32>
    %get3A_365 = arith.constant 352 : index
    %get3A_366 = tpu.vector_load %arg11[%get3A_365] {strides = array<i32>} : memref<512xf32, #tpu.memory_space<vmem>>, vector<16xf32>,
    %get3A_367 = vector.shape_cast %get3A_366 : vector<16xf32> to vector<16xf32>
    %add3A_368 = arith.addf %get3A_364, %get3A_367 : vector<16xf32>
    %add3A_369 = arith.addf %add3A_368, %get3A_98 : vector<16xf32>
    %swap3A_370 = arith.constant 352 : index
    %swap3A_371 = tpu.vector_load %arg13[%swap3A_370] {strides = array<i32>} : memref<512xf32, #tpu.memory_space<vmem>>, vector<16xf32>,
    %swap3A_372 = vector.shape_cast %swap3A_371 : vector<16xf32> to vector<16xf32>
    %swap3A_373 = vector.shape_cast %add3A_369 : vector<16xf32> to vector<16xf32>
    tpu.vector_store %arg13[%swap3A_370], %swap3A_373 {strides = array<i32>} : memref<512xf32, #tpu.memory_space<vmem>>, vector<16xf32>,
    %get3A_374 = arith.constant 368 : index
    %get3A_375 = tpu.vector_load %arg10[%get3A_374] {strides = array<i32>} : memref<512xf32, #tpu.memory_space<vmem>>, vector<16xf32>,
    %get3A_376 = vector.shape_cast %get3A_375 : vector<16xf32> to vector<16xf32>
    %get3A_377 = arith.constant 368 : index
    %get3A_378 = tpu.vector_load %arg11[%get3A_377] {strides = array<i32>} : memref<512xf32, #tpu.memory_space<vmem>>, vector<16xf32>,
    %get3A_379 = vector.shape_cast %get3A_378 : vector<16xf32> to vector<16xf32>
    %add3A_380 = arith.addf %get3A_376, %get3A_379 : vector<16xf32>
    %add3A_381 = arith.addf %add3A_380, %get3A_98 : vector<16xf32>
    %swap3A_382 = arith.constant 368 : index
    %swap3A_383 = tpu.vector_load %arg13[%swap3A_382] {strides = array<i32>} : memref<512xf32, #tpu.memory_space<vmem>>, vector<16xf32>,
    %swap3A_384 = vector.shape_cast %swap3A_383 : vector<16xf32> to vector<16xf32>
    %swap3A_385 = vector.shape_cast %add3A_381 : vector<16xf32> to vector<16xf32>
    tpu.vector_store %arg13[%swap3A_382], %swap3A_385 {strides = array<i32>} : memref<512xf32, #tpu.memory_space<vmem>>, vector<16xf32>,
    %get3A_386 = arith.constant 384 : index
    %get3A_387 = tpu.vector_load %arg10[%get3A_386] {strides = array<i32>} : memref<512xf32, #tpu.memory_space<vmem>>, vector<16xf32>,
    %get3A_388 = vector.shape_cast %get3A_387 : vector<16xf32> to vector<16xf32>
    %get3A_389 = arith.constant 384 : index
    %get3A_390 = tpu.vector_load %arg11[%get3A_389] {strides = array<i32>} : memref<512xf32, #tpu.memory_space<vmem>>, vector<16xf32>,
    %get3A_391 = vector.shape_cast %get3A_390 : vector<16xf32> to vector<16xf32>
    %add3A_392 = arith.addf %get3A_388, %get3A_391 : vector<16xf32>
    %add3A_393 = arith.addf %add3A_392, %get3A_98 : vector<16xf32>
    %swap3A_394 = arith.constant 384 : index
    %swap3A_395 = tpu.vector_load %arg13[%swap3A_394] {strides = array<i32>} : memref<512xf32, #tpu.memory_space<vmem>>, vector<16xf32>,
    %swap3A_396 = vector.shape_cast %swap3A_395 : vector<16xf32> to vector<16xf32>
    %swap3A_397 = vector.shape_cast %add3A_393 : vector<16xf32> to vector<16xf32>
    tpu.vector_store %arg13[%swap3A_394], %swap3A_397 {strides = array<i32>} : memref<512xf32, #tpu.memory_space<vmem>>, vector<16xf32>,
    %get3A_398 = arith.constant 400 : index
    %get3A_399 = tpu.vector_load %arg10[%get3A_398] {strides = array<i32>} : memref<512xf32, #tpu.memory_space<vmem>>, vector<16xf32>,
    %get3A_400 = vector.shape_cast %get3A_399 : vector<16xf32> to vector<16xf32>
    %get3A_401 = arith.constant 400 : index
    %get3A_402 = tpu.vector_load %arg11[%get3A_401] {strides = array<i32>} : memref<512xf32, #tpu.memory_space<vmem>>, vector<16xf32>,
    %get3A_403 = vector.shape_cast %get3A_402 : vector<16xf32> to vector<16xf32>
    %add3A_404 = arith.addf %get3A_400, %get3A_403 : vector<16xf32>
    %add3A_405 = arith.addf %add3A_404, %get3A_98 : vector<16xf32>
    %swap3A_406 = arith.constant 400 : index
    %swap3A_407 = tpu.vector_load %arg13[%swap3A_406] {strides = array<i32>} : memref<512xf32, #tpu.memory_space<vmem>>, vector<16xf32>,
    %swap3A_408 = vector.shape_cast %swap3A_407 : vector<16xf32> to vector<16xf32>
    %swap3A_409 = vector.shape_cast %add3A_405 : vector<16xf32> to vector<16xf32>
    tpu.vector_store %arg13[%swap3A_406], %swap3A_409 {strides = array<i32>} : memref<512xf32, #tpu.memory_space<vmem>>, vector<16xf32>,
    %get3A_410 = arith.constant 416 : index
    %get3A_411 = tpu.vector_load %arg10[%get3A_410] {strides = array<i32>} : memref<512xf32, #tpu.memory_space<vmem>>, vector<16xf32>,
    %get3A_412 = vector.shape_cast %get3A_411 : vector<16xf32> to vector<16xf32>
    %get3A_413 = arith.constant 416 : index
    %get3A_414 = tpu.vector_load %arg11[%get3A_413] {strides = array<i32>} : memref<512xf32, #tpu.memory_space<vmem>>, vector<16xf32>,
    %get3A_415 = vector.shape_cast %get3A_414 : vector<16xf32> to vector<16xf32>
    %add3A_416 = arith.addf %get3A_412, %get3A_415 : vector<16xf32>
    %add3A_417 = arith.addf %add3A_416, %get3A_98 : vector<16xf32>
    %swap3A_418 = arith.constant 416 : index
    %swap3A_419 = tpu.vector_load %arg13[%swap3A_418] {strides = array<i32>} : memref<512xf32, #tpu.memory_space<vmem>>, vector<16xf32>,
    %swap3A_420 = vector.shape_cast %swap3A_419 : vector<16xf32> to vector<16xf32>
    %swap3A_421 = vector.shape_cast %add3A_417 : vector<16xf32> to vector<16xf32>
    tpu.vector_store %arg13[%swap3A_418], %swap3A_421 {strides = array<i32>} : memref<512xf32, #tpu.memory_space<vmem>>, vector<16xf32>,
    %get3A_422 = arith.constant 432 : index
    %get3A_423 = tpu.vector_load %arg10[%get3A_422] {strides = array<i32>} : memref<512xf32, #tpu.memory_space<vmem>>, vector<16xf32>,
    %get3A_424 = vector.shape_cast %get3A_423 : vector<16xf32> to vector<16xf32>
    %get3A_425 = arith.constant 432 : index
    %get3A_426 = tpu.vector_load %arg11[%get3A_425] {strides = array<i32>} : memref<512xf32, #tpu.memory_space<vmem>>, vector<16xf32>,
    %get3A_427 = vector.shape_cast %get3A_426 : vector<16xf32> to vector<16xf32>
    %add3A_428 = arith.addf %get3A_424, %get3A_427 : vector<16xf32>
    %add3A_429 = arith.addf %add3A_428, %get3A_98 : vector<16xf32>
    %swap3A_430 = arith.constant 432 : index
    %swap3A_431 = tpu.vector_load %arg13[%swap3A_430] {strides = array<i32>} : memref<512xf32, #tpu.memory_space<vmem>>, vector<16xf32>,
    %swap3A_432 = vector.shape_cast %swap3A_431 : vector<16xf32> to vector<16xf32>
    %swap3A_433 = vector.shape_cast %add3A_429 : vector<16xf32> to vector<16xf32>
    tpu.vector_store %arg13[%swap3A_430], %swap3A_433 {strides = array<i32>} : memref<512xf32, #tpu.memory_space<vmem>>, vector<16xf32>,
    %get3A_434 = arith.constant 448 : index
    %get3A_435 = tpu.vector_load %arg10[%get3A_434] {strides = array<i32>} : memref<512xf32, #tpu.memory_space<vmem>>, vector<16xf32>,
    %get3A_436 = vector.shape_cast %get3A_435 : vector<16xf32> to vector<16xf32>
    %get3A_437 = arith.constant 448 : index
    %get3A_438 = tpu.vector_load %arg11[%get3A_437] {strides = array<i32>} : memref<512xf32, #tpu.memory_space<vmem>>, vector<16xf32>,
    %get3A_439 = vector.shape_cast %get3A_438 : vector<16xf32> to vector<16xf32>
    %add3A_440 = arith.addf %get3A_436, %get3A_439 : vector<16xf32>
    %add3A_441 = arith.addf %add3A_440, %get3A_98 : vector<16xf32>
    %swap3A_442 = arith.constant 448 : index
    %swap3A_443 = tpu.vector_load %arg13[%swap3A_442] {strides = array<i32>} : memref<512xf32, #tpu.memory_space<vmem>>, vector<16xf32>,
    %swap3A_444 = vector.shape_cast %swap3A_443 : vector<16xf32> to vector<16xf32>
    %swap3A_445 = vector.shape_cast %add3A_441 : vector<16xf32> to vector<16xf32>
    tpu.vector_store %arg13[%swap3A_442], %swap3A_445 {strides = array<i32>} : memref<512xf32, #tpu.memory_space<vmem>>, vector<16xf32>,
    %get3A_446 = arith.constant 464 : index
    %get3A_447 = tpu.vector_load %arg10[%get3A_446] {strides = array<i32>} : memref<512xf32, #tpu.memory_space<vmem>>, vector<16xf32>,
    %get3A_448 = vector.shape_cast %get3A_447 : vector<16xf32> to vector<16xf32>
    %get3A_449 = arith.constant 464 : index
    %get3A_450 = tpu.vector_load %arg11[%get3A_449] {strides = array<i32>} : memref<512xf32, #tpu.memory_space<vmem>>, vector<16xf32>,
    %get3A_451 = vector.shape_cast %get3A_450 : vector<16xf32> to vector<16xf32>
    %add3A_452 = arith.addf %get3A_448, %get3A_451 : vector<16xf32>
    %add3A_453 = arith.addf %add3A_452, %get3A_98 : vector<16xf32>
    %swap3A_454 = arith.constant 464 : index
    %swap3A_455 = tpu.vector_load %arg13[%swap3A_454] {strides = array<i32>} : memref<512xf32, #tpu.memory_space<vmem>>, vector<16xf32>,
    %swap3A_456 = vector.shape_cast %swap3A_455 : vector<16xf32> to vector<16xf32>
    %swap3A_457 = vector.shape_cast %add3A_453 : vector<16xf32> to vector<16xf32>
    tpu.vector_store %arg13[%swap3A_454], %swap3A_457 {strides = array<i32>} : memref<512xf32, #tpu.memory_space<vmem>>, vector<16xf32>,
    %get3A_458 = arith.constant 480 : index
    %get3A_459 = tpu.vector_load %arg10[%get3A_458] {strides = array<i32>} : memref<512xf32, #tpu.memory_space<vmem>>, vector<16xf32>,
    %get3A_460 = vector.shape_cast %get3A_459 : vector<16xf32> to vector<16xf32>
    %get3A_461 = arith.constant 480 : index
    %get3A_462 = tpu.vector_load %arg11[%get3A_461] {strides = array<i32>} : memref<512xf32, #tpu.memory_space<vmem>>, vector<16xf32>,
    %get3A_463 = vector.shape_cast %get3A_462 : vector<16xf32> to vector<16xf32>
    %add3A_464 = arith.addf %get3A_460, %get3A_463 : vector<16xf32>
    %add3A_465 = arith.addf %add3A_464, %get3A_98 : vector<16xf32>
    %swap3A_466 = arith.constant 480 : index
    %swap3A_467 = tpu.vector_load %arg13[%swap3A_466] {strides = array<i32>} : memref<512xf32, #tpu.memory_space<vmem>>, vector<16xf32>,
    %swap3A_468 = vector.shape_cast %swap3A_467 : vector<16xf32> to vector<16xf32>
    %swap3A_469 = vector.shape_cast %add3A_465 : vector<16xf32> to vector<16xf32>
    tpu.vector_store %arg13[%swap3A_466], %swap3A_469 {strides = array<i32>} : memref<512xf32, #tpu.memory_space<vmem>>, vector<16xf32>,
    %get3A_470 = arith.constant 496 : index
    %get3A_471 = tpu.vector_load %arg10[%get3A_470] {strides = array<i32>} : memref<512xf32, #tpu.memory_space<vmem>>, vector<16xf32>,
    %get3A_472 = vector.shape_cast %get3A_471 : vector<16xf32> to vector<16xf32>
    %get3A_473 = arith.constant 496 : index
    %get3A_474 = tpu.vector_load %arg11[%get3A_473] {strides = array<i32>} : memref<512xf32, #tpu.memory_space<vmem>>, vector<16xf32>,
    %get3A_475 = vector.shape_cast %get3A_474 : vector<16xf32> to vector<16xf32>
    %add3A_476 = arith.addf %get3A_472, %get3A_475 : vector<16xf32>
    %add3A_477 = arith.addf %add3A_476, %get3A_98 : vector<16xf32>
    %swap3A_478 = arith.constant 496 : index
    %swap3A_479 = tpu.vector_load %arg13[%swap3A_478] {strides = array<i32>} : memref<512xf32, #tpu.memory_space<vmem>>, vector<16xf32>,
    %swap3A_480 = vector.shape_cast %swap3A_479 : vector<16xf32> to vector<16xf32>
    %swap3A_481 = vector.shape_cast %add3A_477 : vector<16xf32> to vector<16xf32>
    tpu.vector_store %arg13[%swap3A_478], %swap3A_481 {strides = array<i32>} : memref<512xf32, #tpu.memory_space<vmem>>, vector<16xf32>,
    "tpu.region"() ({
      %run_scoped3A = tpu.sem_alloc : memref<!tpu.dma_semaphore, #tpu.memory_space<semaphore_mem>>
      %dma_start3A_482 = tpu.memref_slice %arg7[%mul3A_2] : memref<16384xf32, #tpu.memory_space<hbm>> -> memref<512xf32, #tpu.memory_space<hbm>>
      %dma_start3A_483 = tpu.memref_slice %arg7[%mul3A_2] : memref<16384xf32, #tpu.memory_space<hbm>> -> memref<512xf32, #tpu.memory_space<hbm>>
      tpu.enqueue_dma source(%arg13 : memref<512xf32, #tpu.memory_space<vmem>>) target(%dma_start3A_483 : memref<512xf32, #tpu.memory_space<hbm>>) target_semaphore(%run_scoped3A : memref<!tpu.dma_semaphore, #tpu.memory_space<semaphore_mem>>)
      %dma_wait3A_484 = tpu.memref_slice %arg7[%mul3A_2] : memref<16384xf32, #tpu.memory_space<hbm>> -> memref<512xf32, #tpu.memory_space<hbm>>
      %dma_wait3A_485 = tpu.memref_slice %arg7[%mul3A_2] : memref<16384xf32, #tpu.memory_space<hbm>> -> memref<512xf32, #tpu.memory_space<hbm>>
      tpu.wait_dma2 semaphore(%run_scoped3A : memref<!tpu.dma_semaphore, #tpu.memory_space<semaphore_mem>>) src(%arg13 : memref<512xf32, #tpu.memory_space<vmem>>) dst(%dma_wait3A_485 : memref<512xf32, #tpu.memory_space<hbm>>)
      tpu.yield
    }) : () -> ()
    return
  }
}

module attributes {stable_mosaic.version = 14 : i64} {
  func.func @_wsum_body(%arg0: i32, %arg1: memref<64x16384xf32, #tpu.memory_space<vmem>>, %arg2: memref<64x16384xf32, #tpu.memory_space<vmem>>, %arg3: memref<64x1xf32, #tpu.memory_space<vmem>>, %arg4: memref<64x1xf32, #tpu.memory_space<vmem>>, %arg5: memref<1x16384xf32, #tpu.memory_space<vmem>>, %arg6: memref<1x16384xf32, #tpu.memory_space<vmem>>) attributes {dimension_semantics = [#tpu.dimension_semantics<arbitrary>], iteration_bounds = array<i64: 62>, scalar_prefetch = 0 : i64, scratch_operands = 0 : i64, tpu.core_type = #tpu.core_type<tc>, window_params = [{transform_indices = @transform_0, window_bounds = array<i64: 64, 16384>}, {transform_indices = @transform_1, window_bounds = array<i64: 64, 16384>}, {pipeline_mode = #tpu.pipeline_mode<synchronous>, transform_indices = @transform_2, window_bounds = array<i64: 64, 1>}, {pipeline_mode = #tpu.pipeline_mode<synchronous>, transform_indices = @transform_3, window_bounds = array<i64: 64, 1>}, {transform_indices = @transform_4, window_bounds = array<i64: 1, 16384>}, {transform_indices = @transform_5, window_bounds = array<i64: 1, 16384>}]} {
    %get3A = arith.constant 0 : index
    %get3A_0 = arith.constant 0 : index
    %get3A_1 = vector.load %arg1[%get3A, %get3A_0] : memref<64x16384xf32, #tpu.memory_space<vmem>>, vector<64x16384xf32>
    %get3A_2 = arith.constant 0 : index
    %get3A_3 = arith.constant 0 : index
    %get3A_4 = vector.load %arg3[%get3A_2, %get3A_3] : memref<64x1xf32, #tpu.memory_space<vmem>>, vector<64x1xf32>
    %mul3A = vector.broadcast %get3A_4 : vector<64x1xf32> to vector<64x16384xf32>
    %mul3A_5 = arith.mulf %get3A_1, %mul3A : vector<64x16384xf32>
    %reduce_sum3A = arith.constant dense<0.000000e+00> : vector<16384xf32>
    %reduce_sum3A_6 = vector.multi_reduction <add>, %mul3A_5, %reduce_sum3A [0] : vector<64x16384xf32> to vector<16384xf32>
    %swap3A = arith.constant 0 : index
    %swap3A_7 = arith.constant 0 : index
    %swap3A_8 = vector.load %arg5[%swap3A, %swap3A_7] : memref<1x16384xf32, #tpu.memory_space<vmem>>, vector<1x16384xf32>
    %swap3A_9 = vector.shape_cast %swap3A_8 : vector<1x16384xf32> to vector<16384xf32>
    %swap3A_10 = vector.shape_cast %reduce_sum3A_6 : vector<16384xf32> to vector<1x16384xf32>
    tpu.vector_store %arg5[%swap3A, %swap3A_7], %swap3A_10 {strides = array<i32>} : memref<1x16384xf32, #tpu.memory_space<vmem>>, vector<1x16384xf32>,
    %get3A_11 = arith.constant 0 : index
    %get3A_12 = arith.constant 0 : index
    %get3A_13 = vector.load %arg2[%get3A_11, %get3A_12] : memref<64x16384xf32, #tpu.memory_space<vmem>>, vector<64x16384xf32>
    %get3A_14 = arith.constant 0 : index
    %get3A_15 = arith.constant 0 : index
    %get3A_16 = vector.load %arg4[%get3A_14, %get3A_15] : memref<64x1xf32, #tpu.memory_space<vmem>>, vector<64x1xf32>
    %mul3A_17 = vector.broadcast %get3A_16 : vector<64x1xf32> to vector<64x16384xf32>
    %mul3A_18 = arith.mulf %get3A_13, %mul3A_17 : vector<64x16384xf32>
    %reduce_sum3A_19 = arith.constant dense<0.000000e+00> : vector<16384xf32>
    %reduce_sum3A_20 = vector.multi_reduction <add>, %mul3A_18, %reduce_sum3A_19 [0] : vector<64x16384xf32> to vector<16384xf32>
    %swap3A_21 = arith.constant 0 : index
    %swap3A_22 = arith.constant 0 : index
    %swap3A_23 = vector.load %arg6[%swap3A_21, %swap3A_22] : memref<1x16384xf32, #tpu.memory_space<vmem>>, vector<1x16384xf32>
    %swap3A_24 = vector.shape_cast %swap3A_23 : vector<1x16384xf32> to vector<16384xf32>
    %swap3A_25 = vector.shape_cast %reduce_sum3A_20 : vector<16384xf32> to vector<1x16384xf32>
    tpu.vector_store %arg6[%swap3A_21, %swap3A_22], %swap3A_25 {strides = array<i32>} : memref<1x16384xf32, #tpu.memory_space<vmem>>, vector<1x16384xf32>,
    return
  }
  func.func @transform_0(%arg0: i32) -> (i32, i32) {
    %c0_i32 = arith.constant 0 : i32
    %c0_i32_0 = arith.constant 0 : i32
    return %c0_i32, %arg0 : i32, i32
  }
  func.func @transform_1(%arg0: i32) -> (i32, i32) {
    %c0_i32 = arith.constant 0 : i32
    %c0_i32_0 = arith.constant 0 : i32
    return %c0_i32, %arg0 : i32, i32
  }
  func.func @transform_2(%arg0: i32) -> (i32, i32) {
    %c0_i32 = arith.constant 0 : i32
    %c0_i32_0 = arith.constant 0 : i32
    %c0_i32_1 = arith.constant 0 : i32
    return %c0_i32, %c0_i32_0 : i32, i32
  }
  func.func @transform_3(%arg0: i32) -> (i32, i32) {
    %c0_i32 = arith.constant 0 : i32
    %c0_i32_0 = arith.constant 0 : i32
    %c0_i32_1 = arith.constant 0 : i32
    return %c0_i32, %c0_i32_0 : i32, i32
  }
  func.func @transform_4(%arg0: i32) -> (i32, i32) {
    %c0_i32 = arith.constant 0 : i32
    %c0_i32_0 = arith.constant 0 : i32
    return %c0_i32, %arg0 : i32, i32
  }
  func.func @transform_5(%arg0: i32) -> (i32, i32) {
    %c0_i32 = arith.constant 0 : i32
    %c0_i32_0 = arith.constant 0 : i32
    return %c0_i32, %arg0 : i32, i32
  }
}

</mosaic_0001>

<sc_bundles>
// kernel: kernel.4.cloned.1.call-start
scs
__scs_entry_jumppad:
0x0: {  	(pc) =	sbr.rel $0x88, $3  }
0x1: {  	(tag) =	ssettag $0x0;
	lr =	simm.s32 $0x1  }
0x2: {  	[smem:$0x3F9B] =	sst lr;
	_ =	strace $0xD0000000  }
0x3: {  	_ = 	snop  }
0x4: {  	_ = 	snop  }
0x5: {  	_ = 	snop  }
0x6: {  	_ = 	snop  }
0x7: {  	_ = 	snop  }
__scs_overlays_trampoline_lowered:
0x8: {  	[smem:$0x3FAA] =	sst s0  }
0x9: {  	[smem:$0x3FAB] =	sst s1  }
0xa: {  	[smem:$0x3FAC] =	sst s2  }
0xb: {  	[smem:$0x3FAD] =	sst s3  }
0xc: {  	[smem:$0x3FAE] =	sst s4  }
0xd: {  	[smem:$0x3FAF] =	sst s5  }
0xe: {  	[smem:$0x3FB0] =	sst s6  }
0xf: {  	[smem:$0x3FB1] =	sst s7  }
0x10: {  	[smem:$0x3FB2] =	sst s8  }
0x11: {  	[smem:$0x3FB3] =	sst s9;
	s0 =	simm.s32 @!p0 $0x0  }
0x12: {  	s1 =	sld [smem:$0x3F99];
	s0 =	simm.s32 @p0 $0x1  }
0x13: {  	[smem:$0x3FB4] =	sst s0;
	s0 =	simm.s32 @!p1 $0x0  }
0x14: {  	s2 =	sld [smem:$0x3F98];
	s0 =	simm.s32 @p1 $0x1  }
0x15: {  	[smem:$0x3FB5] =	sst s0;
	s0 =	simm.s32 @!p2 $0x0  }
0x16: {  	s3 =	sld [smem:$0x3FDB];
	s0 =	simm.s32 @p2 $0x1  }
0x17: {  	s4 =	simm.s32 $0x1BF5;
	[smem:$0x3FB7] =	sst s0  }
0x18: {  	s0 =	sld [smem:$0x3F9A];
	_ =	swait.ge [sflag:s4], $0x0  }
0x19: {  	s7 =	sld [smem:$0x3F9B]  }
0x1a: {  	s8 =	sadd.s32 $0xFFFFE003, lr  }
0x1b: {  	s9 =	sadd.s32 $0xFFFFFEF7, lr;
	s5 =	simm.s32 $0xFFFFFFFF;
	p2 =	slt.u32 s8, $0xFFFFF086  }
0x1c: {  	p1 =	slt.u32 s9, $0xF7A;
	s5 =	simm.s32 @!p2 $0x0  }
0x1d: {  	s5 =	simm.s32 @p1 $0x1;
	p0 =	seq.s32 s7, s2  }
0x1e: {  	s7 =	smul.u32 @!p0 $0xF7A, s2;
	p2 =	seq.s32 @!p0 s5, $0x0  }
0x1f: {  	s9 =	smul.u32 $0xF7A, s1;
	s8 =	simm.s32 @!p0 $0x1BF5;
	p2 =	por !p2, p0  }
0x20: {  	[sflag:s8] =	ssyncset.s32 @!p0 $0xFFFFF086;
	s6 =	sadd.s32 @!p0 s3, s7;
	s7 =	simm.s32 @!p0 $0x108  }
0x21: {  	s3 =	sadd.s32 s3, s9;
	s6 =	sadd.s32 @!p0 $0x88, s6;
	s7 =	simm.s32 @p2 $0x1082  }
0x22: {  	[simem:s7], [sflag:s8] =	dma.local @!p0 [hbm:s6], $0xF7A  }
0x23: {  	s9 =	sor.u32 $0xD0000000, s2;
	s6 =	simm.s32 $0x108;
	_ =	swait.ge @!p0 [sflag:s8], $0x0  }
0x24: {  	s3 =	sadd.s32 $0x88, s3;
	s6 =	simm.s32 @!p1 $0x1082;
	[sflag:s4] =	ssyncset.s32 $0xFFFFF086  }
0x25: {  	[simem:s6], [sflag:s4] =	dma.local [hbm:s3], $0xF7A  }
0x26: {  	[smem:$0x3F9B] =	sst s1;
	(tag) =	ssettag s2;
	_ =	strace s9  }
0x27: {  	s1 =	sld [smem:$0x3FAB]  }
0x28: {  	s2 =	sld [smem:$0x3FAC]  }
0x29: {  	s4 =	sld [smem:$0x3FAE]  }
0x2a: {  	p0 =	seq.s32 s5, $0x0;
	s5 =	sld [smem:$0x3FAF]  }
0x2b: {  	s6 =	sld [smem:$0x3FB0]  }
0x2c: {  	s7 =	sld [smem:$0x3FB1]  }
0x2d: {  	s3 =	simm.s32 $0x108;
	s8 =	sld [smem:$0x3FB2]  }
0x2e: {  	s3 =	simm.s32 @!p0 $0x1082;
	s9 =	sld [smem:$0x3FB3]  }
0x2f: {  	lr =	sadd.s32 s0, s3;
	s0 =	sld [smem:$0x3FAA]  }
0x30: {  	s3 =	sld [smem:$0x3FAD]  }
0x31: {  	[smem:$0x3FB6] =	sst s10  }
0x32: {  	s10 =	sld [smem:$0x3FB4];
	_ =	sdelay $0x3  }
0x33: {  	p0 =	seq.s32 s10, $0x1;
	s10 =	sld [smem:$0x3FB6];
	_ =	sdelay $0x3  }
0x34: {  	[smem:$0x3FB6] =	sst s10  }
0x35: {  	s10 =	sld [smem:$0x3FB5];
	_ =	sdelay $0x3  }
0x36: {  	p1 =	seq.s32 s10, $0x1;
	s10 =	sld [smem:$0x3FB6];
	_ =	sdelay $0x3  }
0x37: {  	[smem:$0x3FB6] =	sst s10  }
0x38: {  	s10 =	sld [smem:$0x3FB7]  }
0x39: {  	_ = 	snop;
	(pc) =	sbr.ind lr, $3  }
0x3a: {  	_ = 	snop  }
0x3b: {  	_ = 	snop  }
0x3c: {  	p2 =	seq.s32 s10, $0x1;
	s10 =	sld [smem:$0x3FB6]  }
0x3d: {  	_ =	shalt  }
0x3e: {  	_ =	shalt  }
0x3f: {  	_ =	shalt  }
0x40: {  	_ =	shalt  }
0x41: {  	_ =	shalt  }
0x42: {  	_ =	shalt  }
0x43: {  	_ =	shalt  }
0x44: {  	_ =	shalt  }
0x45: {  	_ =	shalt  }
0x46: {  	_ =	shalt  }
0x47: {  	_ =	shalt  }
0x48: {  	_ =	shalt  }
0x49: {  	_ =	shalt  }
0x4a: {  	_ =	shalt  }
0x4b: {  	_ =	shalt  }
0x4c: {  	_ =	shalt  }
0x4d: {  	_ =	shalt  }
0x4e: {  	_ =	shalt  }
0x4f: {  	_ =	shalt  }
0x50: {  	_ =	shalt  }
0x51: {  	_ =	shalt  }
0x52: {  	_ =	shalt  }
0x53: {  	_ =	shalt  }
0x54: {  	_ =	shalt  }
0x55: {  	_ =	shalt  }
0x56: {  	_ =	shalt  }
0x57: {  	_ =	shalt  }
0x58: {  	_ =	shalt  }
0x59: {  	_ =	shalt  }
0x5a: {  	_ =	shalt  }
0x5b: {  	_ =	shalt  }
0x5c: {  	_ =	shalt  }
0x5d: {  	_ =	shalt  }
0x5e: {  	_ =	shalt  }
0x5f: {  	_ =	shalt  }
0x60: {  	_ =	shalt  }
0x61: {  	_ =	shalt  }
0x62: {  	_ =	shalt  }
0x63: {  	_ =	shalt  }
0x64: {  	_ =	shalt  }
0x65: {  	_ =	shalt  }
0x66: {  	_ =	shalt  }
0x67: {  	_ =	shalt  }
0x68: {  	_ =	shalt  }
0x69: {  	_ =	shalt  }
0x6a: {  	_ =	shalt  }
0x6b: {  	_ =	shalt  }
0x6c: {  	_ =	shalt  }
0x6d: {  	_ =	shalt  }
0x6e: {  	_ =	shalt  }
0x6f: {  	_ =	shalt  }
0x70: {  	_ =	shalt  }
0x71: {  	_ =	shalt  }
0x72: {  	_ =	shalt  }
0x73: {  	_ =	shalt  }
0x74: {  	_ =	shalt  }
0x75: {  	_ =	shalt  }
0x76: {  	_ =	shalt  }
0x77: {  	_ =	shalt  }
0x78: {  	_ =	shalt  }
0x79: {  	_ =	shalt  }
0x7a: {  	_ =	shalt  }
0x7b: {  	_ =	shalt  }
0x7c: {  	_ =	shalt  }
0x7d: {  	_ =	shalt  }
0x7e: {  	_ =	shalt  }
0x7f: {  	_ =	shalt  }
0x80: {  	_ =	shalt  }
0x81: {  	_ =	shalt  }
0x82: {  	_ =	shalt  }
0x83: {  	_ =	shalt  }
0x84: {  	_ =	shalt  }
0x85: {  	_ =	shalt  }
0x86: {  	_ =	shalt  }
0x87: {  	_ =	shalt  }
.Lfunc_end0:
.L_simem_size_0:
called_computation_lowered:
.L_overlay_start_0:
0x88: {  	s2 =	sld [smem:$0x3FD9]  }
0x89: {  	s3 =	sld [smem:$0x3FFE];
	_ =	sdelay $0x1  }
0x8a: {  	s1 =	srdreg.scid  }
0x8b: {  	s0 =	sand.u32 $0x1, s1  }
0x8c: {  	s17 =	sshll.u32 s0, $0xA;
	s2 =	sadd.s32 s3, s2  }
0x8d: {  	s2 =	sadd.s32 s2, s17  }
0x8e: {  	[smem:$0x3FC2] =	sst s2  }
0x8f: {  	_ = 	snop  }
0x90: {  	s2 =	sld [smem:$0x3FC9]  }
0x91: {  	s18 =	sld [smem:$0x3FC8]  }
0x92: {  	s4 =	sld [smem:$0x3FD0];
	(tm) =	ssettm $0x1  }
0x93: {  	s5 =	sld [smem:$0x3FFB];
	_ =	sdelay $0x3  }
0x94: {  	_ =	strace s5  }
0x95: {  	s5 =	sld [smem:$0x3FFC];
	_ =	sdelay $0x3  }
0x96: {  	_ =	strace s5  }
0x97: {  	s5 =	sld [smem:$0x3FFD];
	_ =	sdelay $0x3  }
0x98: {  	_ =	strace s5  }
0x99: {  	_ =	strace $0x8FFFFFFF  }
0x9a: {  	s19 =	sld [smem:$0x3FDB];
	_ =	sdelay $0x1  }
0x9b: {  	s6 =	simm.s32 $_scs_section_size  }
0x9c: {  	s7 =	simm.s32 $_size__tile_overlayer_lowered;
	s8 =	simm.s32 $_tile_overlayer_lowered  }
0x9d: {  	s22 =	simm.s32 $0x1BFF;
	s21 =	sshll.u32 s8, $0x1;
	s5 =	sadd.s32 s6, s19  }
0x9e: {  	s9 =	simm.s32 $0x0;
	s20 =	sshll.u32 s7, $0x1;
	s7 =	sadd.s32 s21, s5  }
0x9f: {  	[timem:s9], [sflag:s22] =	dma.local [hbm:s7], s20  }
0xa0: {  	_ =	swait.ge [sflag:s22], s20  }
0xa1: {  	s6 =	ssub.s32 $0x0, s20;
	[sflag:s22] =	ssyncset.done $0x0  }
0xa2: {  	[sflag:s22] =	ssyncadd.s32 s6;
	_ =	sdelay $0x1  }
0xa3: {  	s23 =	simm.s32 $0x1B8B  }
0xa4: {  	_ =	swait.ge [sflag:s23], $0x1  }
0xa5: {  	[sflag:s23] =	ssyncset.done $0x0  }
0xa6: {  	s25 =	simm.s32 $0x1B8E;
	s24 =	sld [smem:$0x3FFE];
	[sflag:s23] =	ssyncadd.s32 $0xFFFFFFFF  }
0xa7: {  	s26 =	simm.s32 $execute0_lowered;
	[smem:$0x3FD2] =	sst s25  }
0xa8: {  	s7 =	sshll.u32 s26, $0x1;
	_ =	strace $0x80000046;
	[dreg:$0x1] =	wrdreg $0xFFFFFFFF  }
0xa9: {  	s28 =	simm.s32 $_size_execute0_lowered;
	s5 =	sadd.s32 s5, s7;
	[dreg:$0x0] =	wrdreg $0x0  }
0xaa: {  	s7 =	sshll.u32 s28, $0x1;
	[dreg:$0x2] =	wrdreg s5  }
0xab: {  	[dreg:$0x3] =	wrdreg s7  }
0xac: {  	[dreg:$0x4] =	wrdreg $0xC0  }
0xad: {  	_ =	task [dreg:s9], $0x5FFFF  }
0xae: {  	[dreg:$0x1] =	wrdreg $0xFFFFFFFF  }
0xaf: {  	[dreg:$0x0] =	wrdreg $0x60  }
0xb0: {  	[dreg:$0x2] =	wrdreg s2  }
0xb1: {  	[dreg:$0x3] =	wrdreg s18  }
0xb2: {  	[dreg:$0x4] =	wrdreg s24  }
0xb3: {  	[dreg:$0x5] =	wrdreg s4  }
0xb4: {  	[dreg:$0x6] =	wrdreg $0x9  }
0xb5: {  	_ =	task.clear_ibuf [dreg:s9], $0x7FFFF;
	_ =	strace $0x90000046  }
0xb6: {  	s29 =	simm.s32 $0x9;
	_ =	strace $0x80000048  }
0xb7: {  	_ =	swait.ge [sflag:s29], $0x1  }
0xb8: {  	[sflag:s29] =	ssyncadd.s32 $0xFFFFFFFF  }
0xb9: {  	_ =	strace $0x90000048  }
0xba: {  	_ =	sfence  }
0xbb: {  	s30 =	sld [smem:$0x0];
	_ =	sdelay $0x2  }
0xbc: {  	s31 =	sshll.u32 s1, $0xD;
	s1 =	sshrl.u32 s1, $0x2  }
0xbd: {  	s3 =	sand.u32 $0x4000, s31;
	s1 =	sadd.s32 s1, s30  }
0xbe: {  	s0 =	sor.u32 s3, s0;
	s1 =	sshll.u32 s1, $0x11  }
0xbf: {  	s0 =	sor.u32 s1, s0  }
0xc0: {  	s0 =	sadd.s32 $0x8F2B, s0  }
0xc1: {  	[sflag:s0] =	ssyncadd.remote.s32 $0x1  }
0xc2: {  	_ =	sfence.sel $0xFFFF  }
0xc3: {  	[dreg:$0x0] =	wrdreg $0xFFFFFFFF;
	(pc) =	sbr.abs _section_cstart, $3  }
0xc4: {  	[dreg:$0x1] =	wrdreg $0xFFFFFFFF  }
0xc5: {  	_ =	task.clear_ibuf [dreg:s9], $0x2FFFF;
	_ =	strace $0x9FFFFFFF  }
0xc6: {  	(tm) =	ssettm $0x7FFFFFFF  }
0xc7: {  	_ =	shalt  }
tec
execute0_lowered:
.L_overlay_start_1:
0x0: {  	(tag) =	ssettag $0x1  }
0x1: {  	s6 =	rddreg [dreg:$0x0]  }
0x2: {  	s7 =	rddreg [dreg:$0x1]  }
0x3: {  	s1 =	rddreg [dreg:$0x2]  }
0x4: {  	s8 =	rddreg [dreg:$0x3]  }
0x5: {  	s0 =	rddreg [dreg:$0x4];
	s2 =	simm.s32 $0x0  }
0x6: {  	s5 =	srdreg.scid;
	s3 =	stileid.u32;
	s13 =	simm.s32 $0x80  }
0x7: {  	s14 =	simm.s32 $0x400;
	s15 =	simm.s32 $0x600;
	s16 =	simm.s32 $0x480  }
0x8: {  	s17 =	simm.s32 $0x280;
	s18 =	simm.s32 $0x680;
	s19 =	simm.s32 $0x100  }
0x9: {  	s20 =	simm.s32 $0x500;
	s21 =	simm.s32 $0x300;
	s22 =	simm.s32 $0x700  }
0xa: {  	s23 =	simm.s32 $0x180;
	s24 =	simm.s32 $0x580;
	s25 =	simm.s32 $0x380  }
0xb: {  	s26 =	simm.s32 $0x780;
	s28 =	simm.s32 $0x1;
	s29 =	simm.s32 $0x880  }
0xc: {  	[smem:$0x7FF] =	sst s2;
	s4 =	sadd.s32 $0x1EA00, s1;
	s5 =	sand.u32 $0x1, s5  }
0xd: {  	s10 =	sshll.u32 s3, $0x7;
	_ =	strace $0x80000047;
	s9 =	ssub.s32 $0x2, s5  }
0xe: {  	s11 =	sshll.u32 s5, $0x6;
	s5 =	sadd.s32 $0x3D400, s1;
	s12 =	sshrl.u32 s9, $0x1  }
0xf: {  	s10 =	sor.u32 s11, s10;
	s11 =	simm.s32 $0x200;
	s9 =	ssub.s32 s9, s12  }
0x10: {  	s6 =	sadd.s32 s6, s10;
	s7 =	sadd.s32 s7, s10;
	s8 =	sadd.s32 s8, s10  }
0x11: {  	s10 =	simm.s32 $0x2;
	s12 =	simm.s32 $0x800;
	s9 =	smax.u32 s9, $0x1  }
.LBB2_1:
0x12: {  	[tilespmem:s2], [sflag:$0x2] =	stream.linear.gather [hbm4b:s6+s2], $0x200, $0x38;
	[tilespmem:$0xA80] =	vst v63  }
0x13: {  	_ =	swait.ge [sflag:s10], $0x200  }
0x14: {  	[sflag:s10] =	ssyncset.done $0x0  }
0x15: {  	[sflag:s10] =	ssyncadd.s32 $0xFFFFFE00  }
0x16: {  	[tilespmem:s11], [sflag:$0x2] =	stream.linear.gather [hbm4b:s7+s2], $0x200, $0x38;
	[tilespmem:$0xA80] =	vst v63  }
0x17: {  	_ =	swait.ge [sflag:s10], $0x200  }
0x18: {  	[sflag:s10] =	ssyncset.done $0x0  }
0x19: {  	[sflag:s10] =	ssyncadd.s32 $0xFFFFFE00  }
0x1a: {  	[tilespmem:s12], [sflag:$0x2] =	stream.linear.gather [hbm4b:s5+s2], $0x80, $0x38;
	[tilespmem:$0xA80] =	vst v63  }
0x1b: {  	_ =	swait.ge [sflag:s10], $0x80  }
0x1c: {  	[sflag:s10] =	ssyncset.done $0x0  }
0x1d: {  	[sflag:s10] =	ssyncadd.s32 $0xFFFFFF80  }
0x1e: {  	[tilespmem:s14], [sflag:$0x1] =	stream.indirect.gather [hbm4b:s1+s13], $0x1, s2, s13, $0xb8;
	[tilespmem:$0xA80] =	vst v63  }
0x1f: {  	_ = 	snop  }
0x20: {  	[tilespmem:s15], [sflag:$0x1] =	stream.indirect.gather [hbm4b:s4+s13], $0x1, s11, s13, $0xb8;
	[tilespmem:$0xA80] =	vst v63  }
0x21: {  	_ = 	snop  }
0x22: {  	[tilespmem:s16], [sflag:$0x1] =	stream.indirect.gather [hbm4b:s1+s13], $0x1, s13, s13, $0xb8;
	[tilespmem:$0xA80] =	vst v63  }
0x23: {  	_ = 	snop  }
0x24: {  	[tilespmem:s18], [sflag:$0x1] =	stream.indirect.gather [hbm4b:s4+s13], $0x1, s17, s13, $0xb8;
	[tilespmem:$0xA80] =	vst v63  }
0x25: {  	_ = 	snop  }
0x26: {  	[tilespmem:s20], [sflag:$0x1] =	stream.indirect.gather [hbm4b:s1+s13], $0x1, s19, s13, $0xb8;
	[tilespmem:$0xA80] =	vst v63  }
0x27: {  	_ = 	snop  }
0x28: {  	[tilespmem:s22], [sflag:$0x1] =	stream.indirect.gather [hbm4b:s4+s13], $0x1, s21, s13, $0xb8;
	[tilespmem:$0xA80] =	vst v63  }
0x29: {  	_ = 	snop  }
0x2a: {  	[tilespmem:s24], [sflag:$0x1] =	stream.indirect.gather [hbm4b:s1+s13], $0x1, s23, s13, $0xb8;
	[tilespmem:$0xA80] =	vst v63  }
0x2b: {  	_ = 	snop  }
0x2c: {  	[tilespmem:s26], [sflag:$0x1] =	stream.indirect.gather [hbm4b:s4+s13], $0x1, s25, s13, $0xb8;
	[tilespmem:$0xA80] =	vst v63  }
0x2d: {  	_ =	swait.ge [sflag:s28], $0x80  }
0x2e: {  	[sflag:s28] =	ssyncset.done $0x0  }
0x2f: {  	[sflag:s28] =	ssyncadd.s32 $0xFFFFFF80  }
0x30: {  	_ =	swait.ge [sflag:s28], $0x80  }
0x31: {  	[sflag:s28] =	ssyncset.done $0x0  }
0x32: {  	[sflag:s28] =	ssyncadd.s32 $0xFFFFFF80  }
0x33: {  	_ =	swait.ge [sflag:s28], $0x80  }
0x34: {  	[sflag:s28] =	ssyncset.done $0x0  }
0x35: {  	[sflag:s28] =	ssyncadd.s32 $0xFFFFFF80  }
0x36: {  	_ =	swait.ge [sflag:s28], $0x80  }
0x37: {  	[sflag:s28] =	ssyncset.done $0x0  }
0x38: {  	[sflag:s28] =	ssyncadd.s32 $0xFFFFFF80  }
0x39: {  	_ =	swait.ge [sflag:s28], $0x80  }
0x3a: {  	[sflag:s28] =	ssyncset.done $0x0  }
0x3b: {  	[sflag:s28] =	ssyncadd.s32 $0xFFFFFF80  }
0x3c: {  	_ =	swait.ge [sflag:s28], $0x80  }
0x3d: {  	[sflag:s28] =	ssyncset.done $0x0  }
0x3e: {  	[sflag:s28] =	ssyncadd.s32 $0xFFFFFF80  }
0x3f: {  	_ =	swait.ge [sflag:s28], $0x80  }
0x40: {  	[sflag:s28] =	ssyncset.done $0x0  }
0x41: {  	[sflag:s28] =	ssyncadd.s32 $0xFFFFFF80  }
0x42: {  	_ =	swait.ge [sflag:s28], $0x80  }
0x43: {  	[sflag:s28] =	ssyncset.done $0x0  }
0x44: {  	[sflag:s28] =	ssyncadd.s32 $0xFFFFFF80  }
0x45: {  	v0 =	vld [tilespmem:$0x800]  }
0x46: {  	v1 =	vld [tilespmem:$0x400]  }
0x47: {  	v2 =	vld [tilespmem:$0x600]  }
0x48: {  	v3 =	vld [tilespmem:$0x410]  }
0x49: {  	v4 =	vld [tilespmem:$0x610]  }
0x4a: {  	v5 =	vld [tilespmem:$0x420]  }
0x4b: {  	v6 =	vld [tilespmem:$0x620]  }
0x4c: {  	v7 =	vld [tilespmem:$0x430]  }
0x4d: {  	v8 =	vld [tilespmem:$0x630]  }
0x4e: {  	v9 =	vld [tilespmem:$0x440]  }
0x4f: {  	v10 =	vld [tilespmem:$0x640]  }
0x50: {  	v11 =	vld [tilespmem:$0x450]  }
0x51: {  	v12 =	vld [tilespmem:$0x650]  }
0x52: {  	v13 =	vld [tilespmem:$0x460]  }
0x53: {  	v14 =	vld [tilespmem:$0x660]  }
0x54: {  	v15 =	vld [tilespmem:$0x470]  }
0x55: {  	v16 =	vld [tilespmem:$0x670]  }
0x56: {  	v17 =	vld [tilespmem:$0x480]  }
0x57: {  	v18 =	vld [tilespmem:$0x680]  }
0x58: {  	v19 =	vld [tilespmem:$0x490]  }
0x59: {  	v20 =	vld [tilespmem:$0x690]  }
0x5a: {  	v21 =	vld [tilespmem:$0x4A0]  }
0x5b: {  	v22 =	vld [tilespmem:$0x6A0]  }
0x5c: {  	v23 =	vld [tilespmem:$0x4B0]  }
0x5d: {  	v24 =	vld [tilespmem:$0x6B0]  }
0x5e: {  	v25 =	vld [tilespmem:$0x4C0]  }
0x5f: {  	v26 =	vld [tilespmem:$0x6C0]  }
0x60: {  	v27 =	vld [tilespmem:$0x4D0]  }
0x61: {  	v28 =	vld [tilespmem:$0x6D0]  }
0x62: {  	v29 =	vld [tilespmem:$0x4E0]  }
0x63: {  	v30 =	vld [tilespmem:$0x6E0]  }
0x64: {  	v31 =	vld [tilespmem:$0x4F0]  }
0x65: {  	v32 =	vld [tilespmem:$0x6F0]  }
0x66: {  	v33 =	vld [tilespmem:$0x500]  }
0x67: {  	v34 =	vld [tilespmem:$0x700]  }
0x68: {  	v35 =	vld [tilespmem:$0x510]  }
0x69: {  	v36 =	vld [tilespmem:$0x710]  }
0x6a: {  	v37 =	vld [tilespmem:$0x520]  }
0x6b: {  	v45 =	vld [tilespmem:$0x760];
	v1 =	vadd.f32 v2, v1;
	v3 =	vadd.f32 v4, v3  }
0x6c: {  	v48 =	vld [tilespmem:$0x570];
	v5 =	vadd.f32 v6, v5;
	v7 =	vadd.f32 v8, v7  }
0x6d: {  	v51 =	vld [tilespmem:$0x770];
	v62 =	vadd.f32 v10, v9;
	v1 =	vadd.f32 v1, v0  }
0x6e: {  	v54 =	vld [tilespmem:$0x580];
	v38 =	vadd.f32 v12, v11;
	v3 =	vadd.f32 v3, v0  }
0x6f: {  	v57 =	vld [tilespmem:$0x780];
	v40 =	vadd.f32 v14, v13;
	v61 =	vadd.f32 v5, v0;
	[tilespmem:$0x880] =	vst v1  }
0x70: {  	v60 =	vld [tilespmem:$0x590];
	v42 =	vadd.f32 v16, v15;
	v63 =	vadd.f32 v7, v0;
	[tilespmem:$0x890] =	vst v3  }
0x71: {  	v2 =	vld [tilespmem:$0x720];
	v44 =	vadd.f32 v18, v17;
	v39 =	vadd.f32 v62, v0;
	[tilespmem:$0x8A0] =	vst v61  }
0x72: {  	v4 =	vld [tilespmem:$0x530];
	v47 =	vadd.f32 v20, v19;
	v41 =	vadd.f32 v38, v0;
	[tilespmem:$0x8B0] =	vst v63  }
0x73: {  	v6 =	vld [tilespmem:$0x730];
	v50 =	vadd.f32 v22, v21;
	v43 =	vadd.f32 v40, v0;
	[tilespmem:$0x8C0] =	vst v39  }
0x74: {  	v8 =	vld [tilespmem:$0x540];
	v53 =	vadd.f32 v24, v23;
	v46 =	vadd.f32 v42, v0;
	[tilespmem:$0x8D0] =	vst v41  }
0x75: {  	v9 =	vld [tilespmem:$0x740];
	v56 =	vadd.f32 v26, v25;
	v49 =	vadd.f32 v44, v0;
	[tilespmem:$0x8E0] =	vst v43  }
0x76: {  	v10 =	vld [tilespmem:$0x550];
	v59 =	vadd.f32 v28, v27;
	v52 =	vadd.f32 v47, v0;
	[tilespmem:$0x8F0] =	vst v46  }
0x77: {  	v11 =	vld [tilespmem:$0x750];
	v25 =	vadd.f32 v32, v31;
	v55 =	vadd.f32 v50, v0;
	[tilespmem:$0x900] =	vst v49  }
0x78: {  	v12 =	vld [tilespmem:$0x560];
	v28 =	vadd.f32 v34, v33;
	v58 =	vadd.f32 v53, v0;
	[tilespmem:$0x910] =	vst v52  }
0x79: {  	v26 =	vld [tilespmem:$0x5A0];
	v31 =	vadd.f32 v36, v35;
	v24 =	vadd.f32 v59, v0;
	[tilespmem:$0x920] =	vst v55  }
0x7a: {  	v32 =	vld [tilespmem:$0x5B0];
	v62 =	vadd.f32 v30, v29;
	v30 =	vadd.f32 v25, v0;
	[tilespmem:$0x930] =	vst v58  }
0x7b: {  	v34 =	vld [tilespmem:$0x7B0];
	v33 =	vadd.f32 v28, v0;
	[tilespmem:$0x950] =	vst v24  }
0x7c: {  	v36 =	vld [tilespmem:$0x5C0];
	v35 =	vadd.f32 v31, v0;
	[tilespmem:$0x970] =	vst v30  }
0x7d: {  	v29 =	vld [tilespmem:$0x7A0];
	v47 =	vadd.f32 v51, v48;
	v61 =	vadd.f32 v56, v0;
	[tilespmem:$0x980] =	vst v33  }
0x7e: {  	v42 =	vld [tilespmem:$0x5D0];
	v50 =	vadd.f32 v57, v54;
	v27 =	vadd.f32 v62, v0;
	[tilespmem:$0x990] =	vst v35  }
0x7f: {  	v48 =	vld [tilespmem:$0x5E0];
	v52 =	vadd.f32 v47, v0;
	v2 =	vadd.f32 v2, v37;
	[tilespmem:$0x940] =	vst v61  }
0x80: {  	v51 =	vld [tilespmem:$0x7E0];
	v55 =	vadd.f32 v50, v0;
	v4 =	vadd.f32 v6, v4;
	[tilespmem:$0x960] =	vst v27  }
0x81: {  	v54 =	vld [tilespmem:$0x5F0];
	v38 =	vadd.f32 v9, v8;
	[tilespmem:$0x9F0] =	vst v52;
	v37 =	vadd.f32 v2, v0  }
0x82: {  	v63 =	vld [tilespmem:$0x790];
	v41 =	vadd.f32 v11, v10;
	[tilespmem:$0xA00] =	vst v55;
	v40 =	vadd.f32 v4, v0  }
0x83: {  	v39 =	vld [tilespmem:$0x7C0];
	v44 =	vadd.f32 v45, v12;
	v43 =	vadd.f32 v38, v0;
	[tilespmem:$0x9A0] =	vst v37  }
0x84: {  	v45 =	vld [tilespmem:$0x7D0];
	v58 =	vadd.f32 v34, v32;
	v46 =	vadd.f32 v41, v0;
	[tilespmem:$0x9B0] =	vst v40  }
0x85: {  	v57 =	vld [tilespmem:$0x7F0];
	v49 =	vadd.f32 v44, v0;
	v56 =	vadd.f32 v29, v26;
	[tilespmem:$0x9C0] =	vst v43  }
0x86: {  	v3 =	vadd.f32 v58, v0;
	v61 =	vadd.f32 v51, v48;
	[tilespmem:$0x9D0] =	vst v46  }
0x87: {  	v53 =	vadd.f32 v63, v60;
	[tilespmem:$0x9E0] =	vst v49;
	v2 =	vadd.f32 v56, v0  }
0x88: {  	v59 =	vadd.f32 v39, v36;
	[tilespmem:$0xA30] =	vst v3;
	v63 =	vadd.f32 v61, v0  }
0x89: {  	v60 =	vadd.f32 v45, v42;
	v4 =	vadd.f32 v53, v0;
	[tilespmem:$0xA20] =	vst v2  }
0x8a: {  	v62 =	vadd.f32 v57, v54;
	v1 =	vadd.f32 v59, v0;
	[tilespmem:$0xA60] =	vst v63  }
0x8b: {  	[tilespmem:$0xA10] =	vst v4;
	v4 =	vadd.f32 v60, v0  }
0x8c: {  	[tilespmem:$0xA40] =	vst v1;
	v0 =	vadd.f32 v62, v0  }
0x8d: {  	p0 =	sne.s32 s9, $0x1;
	[tilespmem:$0xA50] =	vst v4  }
.Ltmp0:
0x8e: {  	[tilespmem:$0xA70] =	vst v0;
	(pc) =	sbr.rel @p0 .LBB2_1-.Ltmp0, $4  }
0x8f: {  	[hbm4b:s8+s2] =	stream.linear.scatter [tilespmem:s29], [sflag:$0x2], $0x200, $0x38;
	[tilespmem:$0xA80] =	vst v63  }
0x90: {  	_ =	swait.ge [sflag:s10], $0x200  }
0x91: {  	[sflag:s10] =	ssyncset.done $0x0  }
0x92: {  	s9 =	sadd.s32 $0xFFFFFFFF, s9;
	[sflag:s10] =	ssyncadd.s32 $0xFFFFFE00  }
0x93: {  	_ =	sfence.sel $0x180000  }
0x94: {  	[bflag:$0x0] =	sbarrier.arrive $0xFFFF  }
0x95: {  	p0 =	sne.s32 s3, $0x0;
	_ =	strace $0x90000047  }
0x96: {  	s0 =	sadd.s32 @!p0 $0x100000, s0;
	[bflag:$0x2] =	sbarrier.arrive $0xFFFF  }
0x97: {  	[sflag:s0] =	ssyncadd.tile.s32 @!p0 $0x1;
	_ =	shalt  }
.Lfunc_end2:
_tile_overlayer_lowered:
.L_overlay_start_2:
0x98: {  	(tag) =	ssettag $0x2  }
0x99: {  	s0 =	rddreg [dreg:$0x0];
	s2 =	stileid.u32  }
0x9a: {  	s1 =	rddreg [dreg:$0x1];
	p0 =	sne.s32 s2, $0x0  }
0x9b: {  	s3 =	rddreg [dreg:$0x2];
	[bflag:$0x3] =	sbarrier.arrive $0xFFFF;
	s2 =	simm.s32 @!p0 $0x1C02  }
0x9c: {  	[timem:s3], [sflag:s2] =	dma.local @!p0 [hbm:s0], s1  }
0x9d: {  	s0 =	simm.s32 @!p0 $0x2  }
0x9e: {  	_ =	swait.ge @!p0 [sflag:s0], s1  }
0x9f: {  	s1 =	ssub.s32 @!p0 $0x0, s1;
	[sflag:s0] =	ssyncset.done @!p0 $0x0  }
0xa0: {  	[sflag:s0] =	ssyncadd.s32 @!p0 s1  }
0xa1: {  	[bflag:$0x3] =	sbarrier.arrive $0xFFFF  }
0xa2: {  	_ =	shalt  }

</sc_bundles>
